<compile_context>
chip_gen: v7x
topology: tpu7x:2x2x1
jax: 0.10.2.dev20260603
libtpu: 0.0.44.dev20260713+nightly
codegen_flags: <defaults>
</compile_context>

<pallas_src>
import functools

import jax
import jax.numpy as jnp
from jax import lax
from jax.experimental import pallas as pl
from jax.experimental.pallas import tpu as pltpu
from jax.experimental.pallas import tpu_sc as plsc

N = 10000
E = 320000
D = 128
K = 5
C = 64

BR = 400
NB = N // BR
NC, NS = 2, 16
NW = NC * NS
B = 128
NCHUNK = E // B
NCW = NCHUNK // NW
NCX = NCHUNK % NW
NIH = NCW // 3
NROWS = N
RPT = 624



def _softmax_row(hop_ref):
    hrow = hop_ref[...]
    m = jnp.max(hrow)
    e = jnp.exp(hrow - m)
    return e / jnp.sum(e)


def _mlp_scale_body(x_ref, w_ref, b_ref, hop_ref, h_ref, s_ref):
    h = jnp.maximum(
        jnp.dot(x_ref[...], w_ref[...], preferred_element_type=jnp.float32)
        + b_ref[...], 0.0)
    h_ref[...] = h
    w = _softmax_row(hop_ref)
    for kk in range(K):
        s_ref[kk] = h * w[0, kk]


_mlp_scale = pl.pallas_call(
    _mlp_scale_body,
    grid=(NB,),
    in_specs=[pl.BlockSpec((BR, D), lambda i: (i, 0)),
              pl.BlockSpec((D, D), lambda i: (0, 0)),
              pl.BlockSpec((1, D), lambda i: (0, 0)),
              pl.BlockSpec((1, K), lambda i: (0, 0))],
    out_specs=[pl.BlockSpec((BR, D), lambda i: (i, 0)),
               pl.BlockSpec((K, BR, D), lambda i: (0, i, 0))],
    out_shape=[jax.ShapeDtypeStruct((N, D), jnp.float32),
               jax.ShapeDtypeStruct((K, N, D), jnp.float32)],
)


def _combine_scale_body(h_ref, p_ref, w_ref, b_ref, hop_ref,
                        h1_ref, s_ref):
    s = h_ref[...] + p_ref[0] + p_ref[1]
    h1 = jnp.maximum(
        jnp.dot(s, w_ref[...], preferred_element_type=jnp.float32)
        + b_ref[...], 0.0)
    h1_ref[...] = h1
    w = _softmax_row(hop_ref)
    for kk in range(K):
        s_ref[kk] = h1 * w[0, kk]


_combine_scale = pl.pallas_call(
    _combine_scale_body,
    grid=(NB,),
    in_specs=[pl.BlockSpec((BR, D), lambda i: (i, 0)),
              pl.BlockSpec((NC, BR, D), lambda i: (0, i, 0)),
              pl.BlockSpec((D, D), lambda i: (0, 0)),
              pl.BlockSpec((1, D), lambda i: (0, 0)),
              pl.BlockSpec((1, K), lambda i: (0, 0))],
    out_specs=[pl.BlockSpec((BR, D), lambda i: (i, 0)),
               pl.BlockSpec((K, BR, D), lambda i: (0, i, 0))],
    out_shape=[jax.ShapeDtypeStruct((N, D), jnp.float32),
               jax.ShapeDtypeStruct((K, N, D), jnp.float32)],
)


def _combine_head_body(h_ref, p_ref, w_ref, b_ref,
                       w1_ref, b1_ref, w2_ref, b2_ref, o_ref):
    s = h_ref[...] + p_ref[0] + p_ref[1]
    h2 = jnp.maximum(
        jnp.dot(s, w_ref[...], preferred_element_type=jnp.float32)
        + b_ref[...], 0.0)
    t = jnp.maximum(
        jnp.dot(h2, w1_ref[...], preferred_element_type=jnp.float32)
        + b1_ref[...], 0.0)
    o_ref[...] = (jnp.dot(t, w2_ref[...], preferred_element_type=jnp.float32)
                  + b2_ref[...])


_combine_head = pl.pallas_call(
    _combine_head_body,
    grid=(NB,),
    in_specs=[pl.BlockSpec((BR, D), lambda i: (i, 0)),
              pl.BlockSpec((NC, BR, D), lambda i: (0, i, 0)),
              pl.BlockSpec((D, D), lambda i: (0, 0)),
              pl.BlockSpec((1, D), lambda i: (0, 0)),
              pl.BlockSpec((D, D), lambda i: (0, 0)),
              pl.BlockSpec((1, D), lambda i: (0, 0)),
              pl.BlockSpec((D, C), lambda i: (0, 0)),
              pl.BlockSpec((1, C), lambda i: (0, 0))],
    out_specs=pl.BlockSpec((BR, C), lambda i: (i, 0)),
    out_shape=jax.ShapeDtypeStruct((N, C), jnp.float32),
)


def _gidx_body(src_ref, ew_ref, o_ref):
    o_ref[...] = ew_ref[...] * N + src_ref[...]


_gidx = pl.pallas_call(
    _gidx_body,
    out_shape=jax.ShapeDtypeStruct((NCHUNK, B), jnp.int32),
)



_mesh = plsc.VectorSubcoreMesh(core_axis_name="c", subcore_axis_name="s")


@functools.partial(
    pl.kernel,
    out_type=jax.ShapeDtypeStruct((NC, N, D), jnp.float32),
    mesh=_mesh,
    scratch_types=[
        pltpu.VMEM((B,), jnp.int32),
        pltpu.VMEM((B,), jnp.int32),
        pltpu.VMEM((B,), jnp.int32),
        pltpu.VMEM((B,), jnp.int32),
        pltpu.VMEM((B,), jnp.int32),
        pltpu.VMEM((B,), jnp.int32),
        pltpu.VMEM((B, D), jnp.float32),
        pltpu.VMEM((B, D), jnp.float32),
        pltpu.VMEM((B, D), jnp.float32),
        pltpu.VMEM_SHARED((NROWS, D), jnp.float32),
        pltpu.SemaphoreType.DMA,
        pltpu.SemaphoreType.DMA,
        pltpu.SemaphoreType.DMA,
    ],
)
def _sc_agg(scaled_hbm, gidx_hbm, dst_hbm, out_hbm,
            gi0_v, di0_v, gi1_v, di1_v, gi2_v, di2_v,
            rows0_v, rows1_v, rows2_v, acc_sh, sem0, sem1, sem2):
    cid = lax.axis_index("c")
    sid = lax.axis_index("s")
    wid = cid * NS + sid

    zv = jnp.zeros((16,), jnp.float32)

    def _zb(i, carry):
        rows0_v[i // 8, pl.ds((i % 8) * 16, 16)] = zv
        return carry

    lax.fori_loop(0, B * 8, _zb, 0)
    r0 = sid * RPT
    nz = RPT // B
    for j in range(nz):
        pltpu.sync_copy(rows0_v, acc_sh.at[pl.ds(r0 + j * B, B)])
    rem = RPT - nz * B
    pltpu.sync_copy(rows0_v.at[pl.ds(0, rem)],
                    acc_sh.at[pl.ds(r0 + nz * B, rem)])

    @pl.when(sid == 0)
    def _zero_tail():
        pltpu.sync_copy(rows0_v.at[pl.ds(0, 16)],
                        acc_sh.at[pl.ds(NS * RPT, 16)])

    plsc.subcore_barrier()

    base = (NCW * wid + jnp.minimum(wid, NCX)) * B

    def _triple(i, carry):
        off0 = base + (3 * i) * B
        off1 = off0 + B
        off2 = off0 + 2 * B
        ixs = []
        for off, gi_v, di_v, sem in ((off0, gi0_v, di0_v, sem0),
                                     (off1, gi1_v, di1_v, sem1),
                                     (off2, gi2_v, di2_v, sem2)):
            ixs.append((pltpu.async_copy(gidx_hbm.at[pl.ds(off, B)], gi_v,
                                         sem),
                        pltpu.async_copy(dst_hbm.at[pl.ds(off, B)], di_v,
                                         sem)))
        gs = []
        for (ia, ib), gi_v, rows_v, sem in zip(
                ixs, (gi0_v, gi1_v, gi2_v), (rows0_v, rows1_v, rows2_v),
                (sem0, sem1, sem2)):
            ia.wait()
            ib.wait()
            gs.append(pltpu.async_copy(scaled_hbm.at[gi_v], rows_v, sem))
        for g, rows_v, di_v in zip(gs, (rows0_v, rows1_v, rows2_v),
                                   (di0_v, di1_v, di2_v)):
            g.wait()
            pltpu.sync_copy(rows_v, acc_sh.at[di_v], add=True)
        return carry

    lax.fori_loop(0, NIH, _triple, 0)

    @pl.when(wid < NCX)
    def _extra_chunk():
        off = base + NCW * B
        pltpu.sync_copy(gidx_hbm.at[pl.ds(off, B)], gi0_v)
        pltpu.sync_copy(dst_hbm.at[pl.ds(off, B)], di0_v)
        pltpu.async_copy(scaled_hbm.at[gi0_v], rows0_v, sem0).wait()
        pltpu.sync_copy(rows0_v, acc_sh.at[di0_v], add=True)

    plsc.subcore_barrier()
    pltpu.sync_copy(acc_sh.at[pl.ds(r0, RPT)],
                    out_hbm.at[cid, pl.ds(r0, RPT)])

    @pl.when(sid == 0)
    def _flush_tail():
        pltpu.sync_copy(acc_sh.at[pl.ds(NS * RPT, 16)],
                        out_hbm.at[cid, pl.ds(NS * RPT, 16)])



def kernel(x, edge_index, edge_weights, W0, b0, hop1, W1, b1,
           hop2, W2, b2, Wh1, bh1, Wh2, bh2):
    src = edge_index[0]
    dst = edge_index[1]
    gidx = _gidx(src.reshape(NCHUNK, B),
                 edge_weights.reshape(NCHUNK, B)).reshape(E)

    h0, s1 = _mlp_scale(x, W0, b0.reshape(1, D), hop1.reshape(1, K))
    p1 = _sc_agg(s1.reshape(K * N, D), gidx, dst)
    h1, s2 = _combine_scale(h0, p1, W1, b1.reshape(1, D),
                            hop2.reshape(1, K))
    p2 = _sc_agg(s2.reshape(K * N, D), gidx, dst)
    out = _combine_head(h1, p2, W2, b2.reshape(1, D),
                        Wh1, bh1.reshape(1, D), Wh2, bh2.reshape(1, C))
    return out

# --- scband reference (transcript-rebuilt; emitter-appended) ---
"""Pipeline reference for scband-spn-20435454394385 (READ-ONLY COPY).

The authoritative reference and input builder live on the scoring server;
editing this copy changes nothing except your own understanding.
"""

import jax, jax.numpy as jnp
import numpy as np

N = 10000
E = 320000
D = 128
K = 5
C = 64
EPS = 0.0


def setup_inputs(seed: int = 0) -> dict:
    key = jax.random.key(seed)
    ks = jax.random.split(key, 16)
    x = jax.random.normal(ks[0], (N, D), dtype=jnp.float32)
    edge_index = jax.random.randint(ks[1], (2, E), 0, N, dtype=jnp.int32)
    edge_weights = jax.random.randint(ks[2], (E,), 0, K, dtype=jnp.int32)
    s = 1.0 / np.sqrt(D)
    # initial_mlp (size=1): Linear(D, D) + ReLU
    W0 = jax.random.normal(ks[3], (D, D), dtype=jnp.float32) * s
    b0 = jnp.zeros((D,), dtype=jnp.float32)
    # SPN layer 1: hop coefficients (max_distance=5) + GIN-style MLP Linear(D, D) + ReLU
    hop1 = jax.random.normal(ks[4], (K,), dtype=jnp.float32) * 0.1
    W1 = jax.random.normal(ks[5], (D, D), dtype=jnp.float32) * s
    b1 = jnp.zeros((D,), dtype=jnp.float32)
    # SPN layer 2
    hop2 = jax.random.normal(ks[6], (K,), dtype=jnp.float32) * 0.1
    W2 = jax.random.normal(ks[7], (D, D), dtype=jnp.float32) * s
    b2 = jnp.zeros((D,), dtype=jnp.float32)
    # prediction head (size=2): Linear(D, D) + ReLU + Linear(D, C)
    Wh1 = jax.random.normal(ks[8], (D, D), dtype=jnp.float32) * s
    bh1 = jnp.zeros((D,), dtype=jnp.float32)
    Wh2 = jax.random.normal(ks[9], (D, C), dtype=jnp.float32) * s
    bh2 = jnp.zeros((C,), dtype=jnp.float32)
    return {"x": x, "edge_index": edge_index, "edge_weights": edge_weights,
            "W0": W0, "b0": b0, "hop1": hop1, "W1": W1, "b1": b1,
            "hop2": hop2, "W2": W2, "b2": b2,
            "Wh1": Wh1, "bh1": bh1, "Wh2": Wh2, "bh2": bh2}


def _spn_layer(h, src, dst, hop_dist, hop_coef, W, b):
    # softmax over hop-distance coefficients, one weight per shortest-path distance
    w = jax.nn.softmax(hop_coef, axis=0)
    ew = jnp.take(w, hop_dist, axis=0)  # [E] gather of per-distance weight
    msg = jnp.take(h, src, axis=0) * ew[:, None]  # gather source embeddings
    agg = jax.ops.segment_sum(msg, dst, num_segments=N)  # scatter-add to dst
    combined = (1.0 + EPS) * h + agg
    return jax.nn.relu(combined @ W + b)


def reference(x, edge_index, edge_weights, W0, b0, hop1, W1, b1, hop2, W2, b2, Wh1, bh1, Wh2, bh2):
    src = edge_index[0]
    dst = edge_index[1]
    # initial MLP
    h = jax.nn.relu(x @ W0 + b0)
    # SP message-passing layers (dropout_prob=0.0 -> identity)
    h = _spn_layer(h, src, dst, edge_weights, hop1, W1, b1)
    h = _spn_layer(h, src, dst, edge_weights, hop2, W2, b2)
    # prediction head (size=2, no final activation)
    out = jax.nn.relu(h @ Wh1 + bh1) @ Wh2 + bh2
    return out

if __name__ == "__main__":
    import jax
    _d = setup_inputs()
    print(jax.jit(kernel)(*tuple(_d.values())))

</pallas_src>

<mosaic_0001>
#map = affine_map<(d0, d1) -> (0, 0)>
#map1 = affine_map<(d0, d1) -> (0)>
#map2 = affine_map<(d0, d1) -> (0, 0, 0)>
module attributes {stable_mosaic.version = 14 : i64} {
  func.func @_sc_agg(%arg0: i32, %arg1: i32, %arg2: memref<50000x128xf32, #tpu.memory_space<hbm>>, %arg3: memref<320000xi32, #tpu.memory_space<hbm>>, %arg4: memref<320000xi32, #tpu.memory_space<hbm>>, %arg5: memref<2x10000x128xf32, #tpu.memory_space<hbm>>, %arg6: memref<128xi32, #tpu.memory_space<vmem>>, %arg7: memref<128xi32, #tpu.memory_space<vmem>>, %arg8: memref<128xi32, #tpu.memory_space<vmem>>, %arg9: memref<128xi32, #tpu.memory_space<vmem>>, %arg10: memref<128xi32, #tpu.memory_space<vmem>>, %arg11: memref<128xi32, #tpu.memory_space<vmem>>, %arg12: memref<128x128xf32, #tpu.memory_space<vmem>>, %arg13: memref<128x128xf32, #tpu.memory_space<vmem>>, %arg14: memref<128x128xf32, #tpu.memory_space<vmem>>, %arg15: memref<10000x128xf32, #tpu.memory_space<vmem_shared>>, %arg16: memref<!tpu.dma_semaphore, #tpu.memory_space<semaphore_mem>>, %arg17: memref<!tpu.dma_semaphore, #tpu.memory_space<semaphore_mem>>, %arg18: memref<!tpu.dma_semaphore, #tpu.memory_space<semaphore_mem>>) attributes {dimension_semantics = [#tpu.dimension_semantics<core_parallel>, #tpu.dimension_semantics<subcore_parallel>], iteration_bounds = array<i64: 2, 16>, scalar_prefetch = 0 : i64, scratch_operands = 13 : i64, tpu.core_type = #tpu.core_type<sc_vector_subcore>, window_params = [{transform_indices = #map}, {transform_indices = #map1}, {transform_indices = #map1}, {transform_indices = #map2}]} {
    %mul3A = arith.constant 16 : i32
    %mul3A_0 = arith.muli %arg0, %mul3A : i32
    %add3A = arith.addi %mul3A_0, %arg1 : i32
    %broadcast_in_dim3A = arith.constant 0.000000e+00 : f32
    %broadcast_in_dim3A_1 = vector.broadcast %broadcast_in_dim3A : f32 to vector<16xf32>
    %scan3A = arith.constant 0 : i32
    %scan3A_2 = arith.constant 0 : i32
    %scan3A_3 = arith.constant 1024 : i32
    %scan3A_4 = arith.addi %scan3A_2, %scan3A_3 : i32
    %scan3A_5 = arith.constant 1 : i32
    scf.for %scan3A_43 = %scan3A_2 to %scan3A_4 step %scan3A_5  : i32 {
      %jit3A = arith.constant 8 : i32
      %div3A = arith.divsi %scan3A_43, %jit3A : i32
      %sign3A = arith.constant 0 : i32
      %sign3A_44 = arith.cmpi sgt, %scan3A_43, %sign3A : i32
      %sign3A_45 = arith.extui %sign3A_44 : i1 to i32
      %sign3A_46 = arith.constant 0 : i32
      %sign3A_47 = arith.cmpi slt, %scan3A_43, %sign3A_46 : i32
      %sign3A_48 = arith.extui %sign3A_47 : i1 to i32
      %sign3A_49 = arith.subi %sign3A_45, %sign3A_48 : i32
      %sign3A_50 = arith.constant 0 : i32
      %sign3A_51 = arith.cmpi sgt, %jit3A, %sign3A_50 : i32
      %sign3A_52 = arith.extui %sign3A_51 : i1 to i32
      %sign3A_53 = arith.constant 0 : i32
      %sign3A_54 = arith.cmpi slt, %jit3A, %sign3A_53 : i32
      %sign3A_55 = arith.extui %sign3A_54 : i1 to i32
      %sign3A_56 = arith.subi %sign3A_52, %sign3A_55 : i32
      %ne3A = arith.cmpi ne, %sign3A_49, %sign3A_56 : i32
      %rem3A = arith.remsi %scan3A_43, %jit3A : i32
      %ne3A_57 = arith.constant 0 : i32
      %ne3A_58 = arith.cmpi ne, %rem3A, %ne3A_57 : i32
      %and3A = arith.andi %ne3A, %ne3A_58 : i1
      %sub3A = arith.constant 1 : i32
      %sub3A_59 = arith.subi %div3A, %sub3A : i32
      %select_n3A = arith.select %and3A, %sub3A_59, %div3A : i32
      %jit3A_60 = arith.constant 8 : i32
      %eq3A_61 = arith.constant 0 : i32
      %eq3A_62 = arith.cmpi eq, %jit3A_60, %eq3A_61 : i32
      %jit3A_63 = arith.constant 1 : i32
      %select_n3A_64 = arith.select %eq3A_62, %jit3A_63, %jit3A_60 : i32
      %rem3A_65 = arith.remsi %scan3A_43, %select_n3A_64 : i32
      %ne3A_66 = arith.constant 0 : i32
      %ne3A_67 = arith.cmpi ne, %rem3A_65, %ne3A_66 : i32
      %lt3A_68 = arith.constant 0 : i32
      %lt3A_69 = arith.cmpi slt, %rem3A_65, %lt3A_68 : i32
      %lt3A_70 = arith.constant 0 : i32
      %lt3A_71 = arith.cmpi slt, %select_n3A_64, %lt3A_70 : i32
      %ne3A_72 = arith.xori %lt3A_69, %lt3A_71 : i1
      %and3A_73 = arith.andi %ne3A_72, %ne3A_67 : i1
      %add3A_74 = arith.addi %rem3A_65, %select_n3A_64 : i32
      %select_n3A_75 = arith.select %and3A_73, %add3A_74, %rem3A_65 : i32
      %mul3A_76 = arith.constant 16 : i32
      %mul3A_77 = arith.muli %select_n3A_75, %mul3A_76 : i32
      %swap3A = arith.index_cast %select_n3A : i32 to index
      %swap3A_78 = arith.index_cast %mul3A_77 : i32 to index
      %swap3A_79 = tpu.vector_load %arg12[%swap3A, %swap3A_78] {strides = array<i32>} : memref<128x128xf32, #tpu.memory_space<vmem>>, vector<1x16xf32>,
      %swap3A_80 = vector.shape_cast %swap3A_79 : vector<1x16xf32> to vector<16xf32>
      %swap3A_81 = vector.shape_cast %broadcast_in_dim3A_1 : vector<16xf32> to vector<1x16xf32>
      tpu.vector_store %arg12[%swap3A, %swap3A_78], %swap3A_81 {strides = array<i32>} : memref<128x128xf32, #tpu.memory_space<vmem>>, vector<1x16xf32>,
    }
    %scan3A_6 = arith.constant 1024 : i32
    %mul3A_7 = arith.constant 624 : i32
    %mul3A_8 = arith.muli %arg1, %mul3A_7 : i32
    %add3A_9 = arith.constant 0 : i32
    %add3A_10 = arith.addi %mul3A_8, %add3A_9 : i32
    "tpu.region"() ({
      %run_scoped3A = tpu.sem_alloc : memref<!tpu.dma_semaphore, #tpu.memory_space<semaphore_mem>>
      %dma_start3A = arith.constant 0 : i32
      %dma_start3A_43 = tpu.memref_slice %arg15[%add3A_10, %dma_start3A] : memref<10000x128xf32, #tpu.memory_space<vmem_shared>> -> memref<128x128xf32, #tpu.memory_space<vmem_shared>>
      %dma_start3A_44 = arith.constant 0 : i32
      %dma_start3A_45 = tpu.memref_slice %arg15[%add3A_10, %dma_start3A_44] : memref<10000x128xf32, #tpu.memory_space<vmem_shared>> -> memref<128x128xf32, #tpu.memory_space<vmem_shared>>
      tpu.enqueue_dma source(%arg12 : memref<128x128xf32, #tpu.memory_space<vmem>>) target(%dma_start3A_45 : memref<128x128xf32, #tpu.memory_space<vmem_shared>>) target_semaphore(%run_scoped3A : memref<!tpu.dma_semaphore, #tpu.memory_space<semaphore_mem>>)
      %dma_wait3A = arith.constant 0 : i32
      %dma_wait3A_46 = tpu.memref_slice %arg15[%add3A_10, %dma_wait3A] : memref<10000x128xf32, #tpu.memory_space<vmem_shared>> -> memref<128x128xf32, #tpu.memory_space<vmem_shared>>
      %dma_wait3A_47 = arith.constant 0 : i32
      %dma_wait3A_48 = tpu.memref_slice %arg15[%add3A_10, %dma_wait3A_47] : memref<10000x128xf32, #tpu.memory_space<vmem_shared>> -> memref<128x128xf32, #tpu.memory_space<vmem_shared>>
      tpu.wait_dma2 semaphore(%run_scoped3A : memref<!tpu.dma_semaphore, #tpu.memory_space<semaphore_mem>>) src(%arg12 : memref<128x128xf32, #tpu.memory_space<vmem>>) dst(%dma_wait3A_48 : memref<128x128xf32, #tpu.memory_space<vmem_shared>>)
      tpu.yield
    }) : () -> ()
    %add3A_11 = arith.constant 128 : i32
    %add3A_12 = arith.addi %mul3A_8, %add3A_11 : i32
    "tpu.region"() ({
      %run_scoped3A = tpu.sem_alloc : memref<!tpu.dma_semaphore, #tpu.memory_space<semaphore_mem>>
      %dma_start3A = arith.constant 0 : i32
      %dma_start3A_43 = tpu.memref_slice %arg15[%add3A_12, %dma_start3A] : memref<10000x128xf32, #tpu.memory_space<vmem_shared>> -> memref<128x128xf32, #tpu.memory_space<vmem_shared>>
      %dma_start3A_44 = arith.constant 0 : i32
      %dma_start3A_45 = tpu.memref_slice %arg15[%add3A_12, %dma_start3A_44] : memref<10000x128xf32, #tpu.memory_space<vmem_shared>> -> memref<128x128xf32, #tpu.memory_space<vmem_shared>>
      tpu.enqueue_dma source(%arg12 : memref<128x128xf32, #tpu.memory_space<vmem>>) target(%dma_start3A_45 : memref<128x128xf32, #tpu.memory_space<vmem_shared>>) target_semaphore(%run_scoped3A : memref<!tpu.dma_semaphore, #tpu.memory_space<semaphore_mem>>)
      %dma_wait3A = arith.constant 0 : i32
      %dma_wait3A_46 = tpu.memref_slice %arg15[%add3A_12, %dma_wait3A] : memref<10000x128xf32, #tpu.memory_space<vmem_shared>> -> memref<128x128xf32, #tpu.memory_space<vmem_shared>>
      %dma_wait3A_47 = arith.constant 0 : i32
      %dma_wait3A_48 = tpu.memref_slice %arg15[%add3A_12, %dma_wait3A_47] : memref<10000x128xf32, #tpu.memory_space<vmem_shared>> -> memref<128x128xf32, #tpu.memory_space<vmem_shared>>
      tpu.wait_dma2 semaphore(%run_scoped3A : memref<!tpu.dma_semaphore, #tpu.memory_space<semaphore_mem>>) src(%arg12 : memref<128x128xf32, #tpu.memory_space<vmem>>) dst(%dma_wait3A_48 : memref<128x128xf32, #tpu.memory_space<vmem_shared>>)
      tpu.yield
    }) : () -> ()
    %add3A_13 = arith.constant 256 : i32
    %add3A_14 = arith.addi %mul3A_8, %add3A_13 : i32
    "tpu.region"() ({
      %run_scoped3A = tpu.sem_alloc : memref<!tpu.dma_semaphore, #tpu.memory_space<semaphore_mem>>
      %dma_start3A = arith.constant 0 : i32
      %dma_start3A_43 = tpu.memref_slice %arg15[%add3A_14, %dma_start3A] : memref<10000x128xf32, #tpu.memory_space<vmem_shared>> -> memref<128x128xf32, #tpu.memory_space<vmem_shared>>
      %dma_start3A_44 = arith.constant 0 : i32
      %dma_start3A_45 = tpu.memref_slice %arg15[%add3A_14, %dma_start3A_44] : memref<10000x128xf32, #tpu.memory_space<vmem_shared>> -> memref<128x128xf32, #tpu.memory_space<vmem_shared>>
      tpu.enqueue_dma source(%arg12 : memref<128x128xf32, #tpu.memory_space<vmem>>) target(%dma_start3A_45 : memref<128x128xf32, #tpu.memory_space<vmem_shared>>) target_semaphore(%run_scoped3A : memref<!tpu.dma_semaphore, #tpu.memory_space<semaphore_mem>>)
      %dma_wait3A = arith.constant 0 : i32
      %dma_wait3A_46 = tpu.memref_slice %arg15[%add3A_14, %dma_wait3A] : memref<10000x128xf32, #tpu.memory_space<vmem_shared>> -> memref<128x128xf32, #tpu.memory_space<vmem_shared>>
      %dma_wait3A_47 = arith.constant 0 : i32
      %dma_wait3A_48 = tpu.memref_slice %arg15[%add3A_14, %dma_wait3A_47] : memref<10000x128xf32, #tpu.memory_space<vmem_shared>> -> memref<128x128xf32, #tpu.memory_space<vmem_shared>>
      tpu.wait_dma2 semaphore(%run_scoped3A : memref<!tpu.dma_semaphore, #tpu.memory_space<semaphore_mem>>) src(%arg12 : memref<128x128xf32, #tpu.memory_space<vmem>>) dst(%dma_wait3A_48 : memref<128x128xf32, #tpu.memory_space<vmem_shared>>)
      tpu.yield
    }) : () -> ()
    %add3A_15 = arith.constant 384 : i32
    %add3A_16 = arith.addi %mul3A_8, %add3A_15 : i32
    "tpu.region"() ({
      %run_scoped3A = tpu.sem_alloc : memref<!tpu.dma_semaphore, #tpu.memory_space<semaphore_mem>>
      %dma_start3A = arith.constant 0 : i32
      %dma_start3A_43 = tpu.memref_slice %arg15[%add3A_16, %dma_start3A] : memref<10000x128xf32, #tpu.memory_space<vmem_shared>> -> memref<128x128xf32, #tpu.memory_space<vmem_shared>>
      %dma_start3A_44 = arith.constant 0 : i32
      %dma_start3A_45 = tpu.memref_slice %arg15[%add3A_16, %dma_start3A_44] : memref<10000x128xf32, #tpu.memory_space<vmem_shared>> -> memref<128x128xf32, #tpu.memory_space<vmem_shared>>
      tpu.enqueue_dma source(%arg12 : memref<128x128xf32, #tpu.memory_space<vmem>>) target(%dma_start3A_45 : memref<128x128xf32, #tpu.memory_space<vmem_shared>>) target_semaphore(%run_scoped3A : memref<!tpu.dma_semaphore, #tpu.memory_space<semaphore_mem>>)
      %dma_wait3A = arith.constant 0 : i32
      %dma_wait3A_46 = tpu.memref_slice %arg15[%add3A_16, %dma_wait3A] : memref<10000x128xf32, #tpu.memory_space<vmem_shared>> -> memref<128x128xf32, #tpu.memory_space<vmem_shared>>
      %dma_wait3A_47 = arith.constant 0 : i32
      %dma_wait3A_48 = tpu.memref_slice %arg15[%add3A_16, %dma_wait3A_47] : memref<10000x128xf32, #tpu.memory_space<vmem_shared>> -> memref<128x128xf32, #tpu.memory_space<vmem_shared>>
      tpu.wait_dma2 semaphore(%run_scoped3A : memref<!tpu.dma_semaphore, #tpu.memory_space<semaphore_mem>>) src(%arg12 : memref<128x128xf32, #tpu.memory_space<vmem>>) dst(%dma_wait3A_48 : memref<128x128xf32, #tpu.memory_space<vmem_shared>>)
      tpu.yield
    }) : () -> ()
    %add3A_17 = arith.constant 512 : i32
    %add3A_18 = arith.addi %mul3A_8, %add3A_17 : i32
    "tpu.region"() ({
      %run_scoped3A = tpu.sem_alloc : memref<!tpu.dma_semaphore, #tpu.memory_space<semaphore_mem>>
      %dma_start3A = arith.constant 0 : i32
      %dma_start3A_43 = arith.constant 0 : i32
      %dma_start3A_44 = tpu.memref_slice %arg12[%dma_start3A, %dma_start3A_43] : memref<128x128xf32, #tpu.memory_space<vmem>> -> memref<112x128xf32, #tpu.memory_space<vmem>>
      %dma_start3A_45 = arith.constant 0 : i32
      %dma_start3A_46 = tpu.memref_slice %arg15[%add3A_18, %dma_start3A_45] : memref<10000x128xf32, #tpu.memory_space<vmem_shared>> -> memref<112x128xf32, #tpu.memory_space<vmem_shared>>
      %dma_start3A_47 = arith.constant 0 : i32
      %dma_start3A_48 = tpu.memref_slice %arg15[%add3A_18, %dma_start3A_47] : memref<10000x128xf32, #tpu.memory_space<vmem_shared>> -> memref<112x128xf32, #tpu.memory_space<vmem_shared>>
      %dma_start3A_49 = arith.constant 0 : i32
      %dma_start3A_50 = arith.constant 0 : i32
      %dma_start3A_51 = tpu.memref_slice %arg12[%dma_start3A_49, %dma_start3A_50] : memref<128x128xf32, #tpu.memory_space<vmem>> -> memref<112x128xf32, #tpu.memory_space<vmem>>
      tpu.enqueue_dma source(%dma_start3A_51 : memref<112x128xf32, #tpu.memory_space<vmem>>) target(%dma_start3A_48 : memref<112x128xf32, #tpu.memory_space<vmem_shared>>) target_semaphore(%run_scoped3A : memref<!tpu.dma_semaphore, #tpu.memory_space<semaphore_mem>>)
      %dma_wait3A = arith.constant 0 : i32
      %dma_wait3A_52 = arith.constant 0 : i32
      %dma_wait3A_53 = tpu.memref_slice %arg12[%dma_wait3A, %dma_wait3A_52] : memref<128x128xf32, #tpu.memory_space<vmem>> -> memref<112x128xf32, #tpu.memory_space<vmem>>
      %dma_wait3A_54 = arith.constant 0 : i32
      %dma_wait3A_55 = tpu.memref_slice %arg15[%add3A_18, %dma_wait3A_54] : memref<10000x128xf32, #tpu.memory_space<vmem_shared>> -> memref<112x128xf32, #tpu.memory_space<vmem_shared>>
      %dma_wait3A_56 = arith.constant 0 : i32
      %dma_wait3A_57 = tpu.memref_slice %arg15[%add3A_18, %dma_wait3A_56] : memref<10000x128xf32, #tpu.memory_space<vmem_shared>> -> memref<112x128xf32, #tpu.memory_space<vmem_shared>>
      %dma_wait3A_58 = arith.constant 0 : i32
      %dma_wait3A_59 = arith.constant 0 : i32
      %dma_wait3A_60 = tpu.memref_slice %arg12[%dma_wait3A_58, %dma_wait3A_59] : memref<128x128xf32, #tpu.memory_space<vmem>> -> memref<112x128xf32, #tpu.memory_space<vmem>>
      tpu.wait_dma2 semaphore(%run_scoped3A : memref<!tpu.dma_semaphore, #tpu.memory_space<semaphore_mem>>) src(%dma_wait3A_60 : memref<112x128xf32, #tpu.memory_space<vmem>>) dst(%dma_wait3A_57 : memref<112x128xf32, #tpu.memory_space<vmem_shared>>)
      tpu.yield
    }) : () -> ()
    %eq3A = arith.constant 0 : i32
    %eq3A_19 = arith.cmpi eq, %arg1, %eq3A : i32
    %convert_element_type3A = arith.extui %eq3A_19 : i1 to i32
    %cond3A = arith.constant 0 : i32
    %cond3A_20 = arith.cmpi ne, %convert_element_type3A, %cond3A : i32
    scf.if %cond3A_20 {
      "tpu.region"() ({
        %run_scoped3A = tpu.sem_alloc : memref<!tpu.dma_semaphore, #tpu.memory_space<semaphore_mem>>
        %dma_start3A = arith.constant 0 : i32
        %dma_start3A_43 = arith.constant 0 : i32
        %dma_start3A_44 = tpu.memref_slice %arg12[%dma_start3A, %dma_start3A_43] : memref<128x128xf32, #tpu.memory_space<vmem>> -> memref<16x128xf32, #tpu.memory_space<vmem>>
        %dma_start3A_45 = arith.constant 9984 : i32
        %dma_start3A_46 = arith.constant 0 : i32
        %dma_start3A_47 = tpu.memref_slice %arg15[%dma_start3A_45, %dma_start3A_46] : memref<10000x128xf32, #tpu.memory_space<vmem_shared>> -> memref<16x128xf32, #tpu.memory_space<vmem_shared>>
        %dma_start3A_48 = arith.constant 9984 : i32
        %dma_start3A_49 = arith.constant 0 : i32
        %dma_start3A_50 = tpu.memref_slice %arg15[%dma_start3A_48, %dma_start3A_49] : memref<10000x128xf32, #tpu.memory_space<vmem_shared>> -> memref<16x128xf32, #tpu.memory_space<vmem_shared>>
        %dma_start3A_51 = arith.constant 0 : i32
        %dma_start3A_52 = arith.constant 0 : i32
        %dma_start3A_53 = tpu.memref_slice %arg12[%dma_start3A_51, %dma_start3A_52] : memref<128x128xf32, #tpu.memory_space<vmem>> -> memref<16x128xf32, #tpu.memory_space<vmem>>
        tpu.enqueue_dma source(%dma_start3A_53 : memref<16x128xf32, #tpu.memory_space<vmem>>) target(%dma_start3A_50 : memref<16x128xf32, #tpu.memory_space<vmem_shared>>) target_semaphore(%run_scoped3A : memref<!tpu.dma_semaphore, #tpu.memory_space<semaphore_mem>>)
        %dma_wait3A = arith.constant 0 : i32
        %dma_wait3A_54 = arith.constant 0 : i32
        %dma_wait3A_55 = tpu.memref_slice %arg12[%dma_wait3A, %dma_wait3A_54] : memref<128x128xf32, #tpu.memory_space<vmem>> -> memref<16x128xf32, #tpu.memory_space<vmem>>
        %dma_wait3A_56 = arith.constant 9984 : i32
        %dma_wait3A_57 = arith.constant 0 : i32
        %dma_wait3A_58 = tpu.memref_slice %arg15[%dma_wait3A_56, %dma_wait3A_57] : memref<10000x128xf32, #tpu.memory_space<vmem_shared>> -> memref<16x128xf32, #tpu.memory_space<vmem_shared>>
        %dma_wait3A_59 = arith.constant 9984 : i32
        %dma_wait3A_60 = arith.constant 0 : i32
        %dma_wait3A_61 = tpu.memref_slice %arg15[%dma_wait3A_59, %dma_wait3A_60] : memref<10000x128xf32, #tpu.memory_space<vmem_shared>> -> memref<16x128xf32, #tpu.memory_space<vmem_shared>>
        %dma_wait3A_62 = arith.constant 0 : i32
        %dma_wait3A_63 = arith.constant 0 : i32
        %dma_wait3A_64 = tpu.memref_slice %arg12[%dma_wait3A_62, %dma_wait3A_63] : memref<128x128xf32, #tpu.memory_space<vmem>> -> memref<16x128xf32, #tpu.memory_space<vmem>>
        tpu.wait_dma2 semaphore(%run_scoped3A : memref<!tpu.dma_semaphore, #tpu.memory_space<semaphore_mem>>) src(%dma_wait3A_64 : memref<16x128xf32, #tpu.memory_space<vmem>>) dst(%dma_wait3A_61 : memref<16x128xf32, #tpu.memory_space<vmem_shared>>)
        tpu.yield
      }) : () -> ()
    } else {
    }
    %barrier3A = arith.constant 0 : index
    tpu.barrier barrier_id(%barrier3A)
    %mul3A_21 = arith.constant 78 : i32
    %mul3A_22 = arith.muli %mul3A_21, %add3A : i32
    %min3A = arith.constant 4 : i32
    %min3A_23 = arith.minsi %add3A, %min3A : i32
    %add3A_24 = arith.addi %mul3A_22, %min3A_23 : i32
    %mul3A_25 = arith.constant 128 : i32
    %mul3A_26 = arith.muli %add3A_24, %mul3A_25 : i32
    %scan3A_27 = arith.constant 0 : i32
    %scan3A_28 = arith.constant 0 : i32
    %scan3A_29 = arith.constant 26 : i32
    %scan3A_30 = arith.addi %scan3A_28, %scan3A_29 : i32
    %scan3A_31 = arith.constant 1 : i32
    scf.for %scan3A_43 = %scan3A_28 to %scan3A_30 step %scan3A_31  : i32 {
      %mul3A_44 = arith.constant 3 : i32
      %mul3A_45 = arith.muli %mul3A_44, %scan3A_43 : i32
      %mul3A_46 = arith.constant 128 : i32
      %mul3A_47 = arith.muli %mul3A_45, %mul3A_46 : i32
      %add3A_48 = arith.addi %mul3A_26, %mul3A_47 : i32
      %add3A_49 = arith.constant 128 : i32
      %add3A_50 = arith.addi %add3A_48, %add3A_49 : i32
      %add3A_51 = arith.constant 256 : i32
      %add3A_52 = arith.addi %add3A_48, %add3A_51 : i32
      %dma_start3A = tpu.memref_slice %arg3[%add3A_48] : memref<320000xi32, #tpu.memory_space<hbm>> -> memref<128xi32, #tpu.memory_space<hbm>>
      %dma_start3A_53 = tpu.memref_slice %arg3[%add3A_48] : memref<320000xi32, #tpu.memory_space<hbm>> -> memref<128xi32, #tpu.memory_space<hbm>>
      tpu.enqueue_dma source(%dma_start3A_53 : memref<128xi32, #tpu.memory_space<hbm>>) target(%arg6 : memref<128xi32, #tpu.memory_space<vmem>>) target_semaphore(%arg16 : memref<!tpu.dma_semaphore, #tpu.memory_space<semaphore_mem>>)
      %dma_start3A_54 = tpu.memref_slice %arg4[%add3A_48] : memref<320000xi32, #tpu.memory_space<hbm>> -> memref<128xi32, #tpu.memory_space<hbm>>
      %dma_start3A_55 = tpu.memref_slice %arg4[%add3A_48] : memref<320000xi32, #tpu.memory_space<hbm>> -> memref<128xi32, #tpu.memory_space<hbm>>
      tpu.enqueue_dma source(%dma_start3A_55 : memref<128xi32, #tpu.memory_space<hbm>>) target(%arg7 : memref<128xi32, #tpu.memory_space<vmem>>) target_semaphore(%arg16 : memref<!tpu.dma_semaphore, #tpu.memory_space<semaphore_mem>>)
      %dma_start3A_56 = tpu.memref_slice %arg3[%add3A_50] : memref<320000xi32, #tpu.memory_space<hbm>> -> memref<128xi32, #tpu.memory_space<hbm>>
      %dma_start3A_57 = tpu.memref_slice %arg3[%add3A_50] : memref<320000xi32, #tpu.memory_space<hbm>> -> memref<128xi32, #tpu.memory_space<hbm>>
      tpu.enqueue_dma source(%dma_start3A_57 : memref<128xi32, #tpu.memory_space<hbm>>) target(%arg8 : memref<128xi32, #tpu.memory_space<vmem>>) target_semaphore(%arg17 : memref<!tpu.dma_semaphore, #tpu.memory_space<semaphore_mem>>)
      %dma_start3A_58 = tpu.memref_slice %arg4[%add3A_50] : memref<320000xi32, #tpu.memory_space<hbm>> -> memref<128xi32, #tpu.memory_space<hbm>>
      %dma_start3A_59 = tpu.memref_slice %arg4[%add3A_50] : memref<320000xi32, #tpu.memory_space<hbm>> -> memref<128xi32, #tpu.memory_space<hbm>>
      tpu.enqueue_dma source(%dma_start3A_59 : memref<128xi32, #tpu.memory_space<hbm>>) target(%arg9 : memref<128xi32, #tpu.memory_space<vmem>>) target_semaphore(%arg17 : memref<!tpu.dma_semaphore, #tpu.memory_space<semaphore_mem>>)
      %dma_start3A_60 = tpu.memref_slice %arg3[%add3A_52] : memref<320000xi32, #tpu.memory_space<hbm>> -> memref<128xi32, #tpu.memory_space<hbm>>
      %dma_start3A_61 = tpu.memref_slice %arg3[%add3A_52] : memref<320000xi32, #tpu.memory_space<hbm>> -> memref<128xi32, #tpu.memory_space<hbm>>
      tpu.enqueue_dma source(%dma_start3A_61 : memref<128xi32, #tpu.memory_space<hbm>>) target(%arg10 : memref<128xi32, #tpu.memory_space<vmem>>) target_semaphore(%arg18 : memref<!tpu.dma_semaphore, #tpu.memory_space<semaphore_mem>>)
      %dma_start3A_62 = tpu.memref_slice %arg4[%add3A_52] : memref<320000xi32, #tpu.memory_space<hbm>> -> memref<128xi32, #tpu.memory_space<hbm>>
      %dma_start3A_63 = tpu.memref_slice %arg4[%add3A_52] : memref<320000xi32, #tpu.memory_space<hbm>> -> memref<128xi32, #tpu.memory_space<hbm>>
      tpu.enqueue_dma source(%dma_start3A_63 : memref<128xi32, #tpu.memory_space<hbm>>) target(%arg11 : memref<128xi32, #tpu.memory_space<vmem>>) target_semaphore(%arg18 : memref<!tpu.dma_semaphore, #tpu.memory_space<semaphore_mem>>)
      %dma_wait3A = tpu.memref_slice %arg3[%add3A_48] : memref<320000xi32, #tpu.memory_space<hbm>> -> memref<128xi32, #tpu.memory_space<hbm>>
      %dma_wait3A_64 = tpu.memref_slice %arg3[%add3A_48] : memref<320000xi32, #tpu.memory_space<hbm>> -> memref<128xi32, #tpu.memory_space<hbm>>
      tpu.wait_dma2 semaphore(%arg16 : memref<!tpu.dma_semaphore, #tpu.memory_space<semaphore_mem>>) src(%dma_wait3A_64 : memref<128xi32, #tpu.memory_space<hbm>>) dst(%arg6 : memref<128xi32, #tpu.memory_space<vmem>>)
      %dma_wait3A_65 = tpu.memref_slice %arg4[%add3A_48] : memref<320000xi32, #tpu.memory_space<hbm>> -> memref<128xi32, #tpu.memory_space<hbm>>
      %dma_wait3A_66 = tpu.memref_slice %arg4[%add3A_48] : memref<320000xi32, #tpu.memory_space<hbm>> -> memref<128xi32, #tpu.memory_space<hbm>>
      tpu.wait_dma2 semaphore(%arg16 : memref<!tpu.dma_semaphore, #tpu.memory_space<semaphore_mem>>) src(%dma_wait3A_66 : memref<128xi32, #tpu.memory_space<hbm>>) dst(%arg7 : memref<128xi32, #tpu.memory_space<vmem>>)
      %dma_start3A_67 = arith.constant 0 : i32
      %dma_start3A_68 = arith.constant 0 : i32
      %dma_start3A_69 = tpu.memref_slice %arg2[%dma_start3A_67, %dma_start3A_68] : memref<50000x128xf32, #tpu.memory_space<hbm>> -> memref<50000x128xf32, #tpu.memory_space<hbm>>
      tpu.enqueue_indirect_dma source(%dma_start3A_69 : memref<50000x128xf32, #tpu.memory_space<hbm>>) target(%arg12 : memref<128x128xf32, #tpu.memory_space<vmem>>) offsets(%arg6 : memref<128xi32, #tpu.memory_space<vmem>>) semaphore(%arg16 : memref<!tpu.dma_semaphore, #tpu.memory_space<semaphore_mem>>)
      %dma_wait3A_70 = tpu.memref_slice %arg3[%add3A_50] : memref<320000xi32, #tpu.memory_space<hbm>> -> memref<128xi32, #tpu.memory_space<hbm>>
      %dma_wait3A_71 = tpu.memref_slice %arg3[%add3A_50] : memref<320000xi32, #tpu.memory_space<hbm>> -> memref<128xi32, #tpu.memory_space<hbm>>
      tpu.wait_dma2 semaphore(%arg17 : memref<!tpu.dma_semaphore, #tpu.memory_space<semaphore_mem>>) src(%dma_wait3A_71 : memref<128xi32, #tpu.memory_space<hbm>>) dst(%arg8 : memref<128xi32, #tpu.memory_space<vmem>>)
      %dma_wait3A_72 = tpu.memref_slice %arg4[%add3A_50] : memref<320000xi32, #tpu.memory_space<hbm>> -> memref<128xi32, #tpu.memory_space<hbm>>
      %dma_wait3A_73 = tpu.memref_slice %arg4[%add3A_50] : memref<320000xi32, #tpu.memory_space<hbm>> -> memref<128xi32, #tpu.memory_space<hbm>>
      tpu.wait_dma2 semaphore(%arg17 : memref<!tpu.dma_semaphore, #tpu.memory_space<semaphore_mem>>) src(%dma_wait3A_73 : memref<128xi32, #tpu.memory_space<hbm>>) dst(%arg9 : memref<128xi32, #tpu.memory_space<vmem>>)
      %dma_start3A_74 = arith.constant 0 : i32
      %dma_start3A_75 = arith.constant 0 : i32
      %dma_start3A_76 = tpu.memref_slice %arg2[%dma_start3A_74, %dma_start3A_75] : memref<50000x128xf32, #tpu.memory_space<hbm>> -> memref<50000x128xf32, #tpu.memory_space<hbm>>
      tpu.enqueue_indirect_dma source(%dma_start3A_76 : memref<50000x128xf32, #tpu.memory_space<hbm>>) target(%arg13 : memref<128x128xf32, #tpu.memory_space<vmem>>) offsets(%arg8 : memref<128xi32, #tpu.memory_space<vmem>>) semaphore(%arg17 : memref<!tpu.dma_semaphore, #tpu.memory_space<semaphore_mem>>)
      %dma_wait3A_77 = tpu.memref_slice %arg3[%add3A_52] : memref<320000xi32, #tpu.memory_space<hbm>> -> memref<128xi32, #tpu.memory_space<hbm>>
      %dma_wait3A_78 = tpu.memref_slice %arg3[%add3A_52] : memref<320000xi32, #tpu.memory_space<hbm>> -> memref<128xi32, #tpu.memory_space<hbm>>
      tpu.wait_dma2 semaphore(%arg18 : memref<!tpu.dma_semaphore, #tpu.memory_space<semaphore_mem>>) src(%dma_wait3A_78 : memref<128xi32, #tpu.memory_space<hbm>>) dst(%arg10 : memref<128xi32, #tpu.memory_space<vmem>>)
      %dma_wait3A_79 = tpu.memref_slice %arg4[%add3A_52] : memref<320000xi32, #tpu.memory_space<hbm>> -> memref<128xi32, #tpu.memory_space<hbm>>
      %dma_wait3A_80 = tpu.memref_slice %arg4[%add3A_52] : memref<320000xi32, #tpu.memory_space<hbm>> -> memref<128xi32, #tpu.memory_space<hbm>>
      tpu.wait_dma2 semaphore(%arg18 : memref<!tpu.dma_semaphore, #tpu.memory_space<semaphore_mem>>) src(%dma_wait3A_80 : memref<128xi32, #tpu.memory_space<hbm>>) dst(%arg11 : memref<128xi32, #tpu.memory_space<vmem>>)
      %dma_start3A_81 = arith.constant 0 : i32
      %dma_start3A_82 = arith.constant 0 : i32
      %dma_start3A_83 = tpu.memref_slice %arg2[%dma_start3A_81, %dma_start3A_82] : memref<50000x128xf32, #tpu.memory_space<hbm>> -> memref<50000x128xf32, #tpu.memory_space<hbm>>
      tpu.enqueue_indirect_dma source(%dma_start3A_83 : memref<50000x128xf32, #tpu.memory_space<hbm>>) target(%arg14 : memref<128x128xf32, #tpu.memory_space<vmem>>) offsets(%arg10 : memref<128xi32, #tpu.memory_space<vmem>>) semaphore(%arg18 : memref<!tpu.dma_semaphore, #tpu.memory_space<semaphore_mem>>)
      %dma_wait3A_84 = arith.constant 0 : i32
      %dma_wait3A_85 = arith.constant 0 : i32
      %dma_wait3A_86 = tpu.memref_slice %arg2[%dma_wait3A_84, %dma_wait3A_85] : memref<50000x128xf32, #tpu.memory_space<hbm>> -> memref<50000x128xf32, #tpu.memory_space<hbm>>
      tpu.wait_indirect_dma semaphore(%arg16 : memref<!tpu.dma_semaphore, #tpu.memory_space<semaphore_mem>>) src(%dma_wait3A_86 : memref<50000x128xf32, #tpu.memory_space<hbm>>) dst(%arg12 : memref<128x128xf32, #tpu.memory_space<vmem>>)
      "tpu.region"() ({
        %run_scoped3A = tpu.sem_alloc : memref<!tpu.dma_semaphore, #tpu.memory_space<semaphore_mem>>
        %dma_start3A_93 = arith.constant 0 : i32
        %dma_start3A_94 = arith.constant 0 : i32
        %dma_start3A_95 = tpu.memref_slice %arg15[%dma_start3A_93, %dma_start3A_94] : memref<10000x128xf32, #tpu.memory_space<vmem_shared>> -> memref<10000x128xf32, #tpu.memory_space<vmem_shared>>
        tpu.enqueue_indirect_dma source(%arg12 : memref<128x128xf32, #tpu.memory_space<vmem>>) target(%dma_start3A_95 : memref<10000x128xf32, #tpu.memory_space<vmem_shared>>) offsets(%arg7 : memref<128xi32, #tpu.memory_space<vmem>>) semaphore(%run_scoped3A : memref<!tpu.dma_semaphore, #tpu.memory_space<semaphore_mem>>) {add = true}
        %dma_wait3A_96 = arith.constant 0 : i32
        %dma_wait3A_97 = arith.constant 0 : i32
        %dma_wait3A_98 = tpu.memref_slice %arg15[%dma_wait3A_96, %dma_wait3A_97] : memref<10000x128xf32, #tpu.memory_space<vmem_shared>> -> memref<10000x128xf32, #tpu.memory_space<vmem_shared>>
        tpu.wait_indirect_dma semaphore(%run_scoped3A : memref<!tpu.dma_semaphore, #tpu.memory_space<semaphore_mem>>) src(%arg12 : memref<128x128xf32, #tpu.memory_space<vmem>>) dst(%dma_wait3A_98 : memref<10000x128xf32, #tpu.memory_space<vmem_shared>>)
        tpu.yield
      }) : () -> ()
      %dma_wait3A_87 = arith.constant 0 : i32
      %dma_wait3A_88 = arith.constant 0 : i32
      %dma_wait3A_89 = tpu.memref_slice %arg2[%dma_wait3A_87, %dma_wait3A_88] : memref<50000x128xf32, #tpu.memory_space<hbm>> -> memref<50000x128xf32, #tpu.memory_space<hbm>>
      tpu.wait_indirect_dma semaphore(%arg17 : memref<!tpu.dma_semaphore, #tpu.memory_space<semaphore_mem>>) src(%dma_wait3A_89 : memref<50000x128xf32, #tpu.memory_space<hbm>>) dst(%arg13 : memref<128x128xf32, #tpu.memory_space<vmem>>)
      "tpu.region"() ({
        %run_scoped3A = tpu.sem_alloc : memref<!tpu.dma_semaphore, #tpu.memory_space<semaphore_mem>>
        %dma_start3A_93 = arith.constant 0 : i32
        %dma_start3A_94 = arith.constant 0 : i32
        %dma_start3A_95 = tpu.memref_slice %arg15[%dma_start3A_93, %dma_start3A_94] : memref<10000x128xf32, #tpu.memory_space<vmem_shared>> -> memref<10000x128xf32, #tpu.memory_space<vmem_shared>>
        tpu.enqueue_indirect_dma source(%arg13 : memref<128x128xf32, #tpu.memory_space<vmem>>) target(%dma_start3A_95 : memref<10000x128xf32, #tpu.memory_space<vmem_shared>>) offsets(%arg9 : memref<128xi32, #tpu.memory_space<vmem>>) semaphore(%run_scoped3A : memref<!tpu.dma_semaphore, #tpu.memory_space<semaphore_mem>>) {add = true}
        %dma_wait3A_96 = arith.constant 0 : i32
        %dma_wait3A_97 = arith.constant 0 : i32
        %dma_wait3A_98 = tpu.memref_slice %arg15[%dma_wait3A_96, %dma_wait3A_97] : memref<10000x128xf32, #tpu.memory_space<vmem_shared>> -> memref<10000x128xf32, #tpu.memory_space<vmem_shared>>
        tpu.wait_indirect_dma semaphore(%run_scoped3A : memref<!tpu.dma_semaphore, #tpu.memory_space<semaphore_mem>>) src(%arg13 : memref<128x128xf32, #tpu.memory_space<vmem>>) dst(%dma_wait3A_98 : memref<10000x128xf32, #tpu.memory_space<vmem_shared>>)
        tpu.yield
      }) : () -> ()
      %dma_wait3A_90 = arith.constant 0 : i32
      %dma_wait3A_91 = arith.constant 0 : i32
      %dma_wait3A_92 = tpu.memref_slice %arg2[%dma_wait3A_90, %dma_wait3A_91] : memref<50000x128xf32, #tpu.memory_space<hbm>> -> memref<50000x128xf32, #tpu.memory_space<hbm>>
      tpu.wait_indirect_dma semaphore(%arg18 : memref<!tpu.dma_semaphore, #tpu.memory_space<semaphore_mem>>) src(%dma_wait3A_92 : memref<50000x128xf32, #tpu.memory_space<hbm>>) dst(%arg14 : memref<128x128xf32, #tpu.memory_space<vmem>>)
      "tpu.region"() ({
        %run_scoped3A = tpu.sem_alloc : memref<!tpu.dma_semaphore, #tpu.memory_space<semaphore_mem>>
        %dma_start3A_93 = arith.constant 0 : i32
        %dma_start3A_94 = arith.constant 0 : i32
        %dma_start3A_95 = tpu.memref_slice %arg15[%dma_start3A_93, %dma_start3A_94] : memref<10000x128xf32, #tpu.memory_space<vmem_shared>> -> memref<10000x128xf32, #tpu.memory_space<vmem_shared>>
        tpu.enqueue_indirect_dma source(%arg14 : memref<128x128xf32, #tpu.memory_space<vmem>>) target(%dma_start3A_95 : memref<10000x128xf32, #tpu.memory_space<vmem_shared>>) offsets(%arg11 : memref<128xi32, #tpu.memory_space<vmem>>) semaphore(%run_scoped3A : memref<!tpu.dma_semaphore, #tpu.memory_space<semaphore_mem>>) {add = true}
        %dma_wait3A_96 = arith.constant 0 : i32
        %dma_wait3A_97 = arith.constant 0 : i32
        %dma_wait3A_98 = tpu.memref_slice %arg15[%dma_wait3A_96, %dma_wait3A_97] : memref<10000x128xf32, #tpu.memory_space<vmem_shared>> -> memref<10000x128xf32, #tpu.memory_space<vmem_shared>>
        tpu.wait_indirect_dma semaphore(%run_scoped3A : memref<!tpu.dma_semaphore, #tpu.memory_space<semaphore_mem>>) src(%arg14 : memref<128x128xf32, #tpu.memory_space<vmem>>) dst(%dma_wait3A_98 : memref<10000x128xf32, #tpu.memory_space<vmem_shared>>)
        tpu.yield
      }) : () -> ()
    }
    %scan3A_32 = arith.constant 26 : i32
    %lt3A = arith.constant 4 : i32
    %lt3A_33 = arith.cmpi slt, %add3A, %lt3A : i32
    %convert_element_type3A_34 = arith.extui %lt3A_33 : i1 to i32
    %cond3A_35 = arith.constant 0 : i32
    %cond3A_36 = arith.cmpi ne, %convert_element_type3A_34, %cond3A_35 : i32
    scf.if %cond3A_36 {
      %add3A_43 = arith.constant 9984 : i32
      %add3A_44 = arith.addi %mul3A_26, %add3A_43 : i32
      "tpu.region"() ({
        %run_scoped3A = tpu.sem_alloc : memref<!tpu.dma_semaphore, #tpu.memory_space<semaphore_mem>>
        %dma_start3A_49 = tpu.memref_slice %arg3[%add3A_44] : memref<320000xi32, #tpu.memory_space<hbm>> -> memref<128xi32, #tpu.memory_space<hbm>>
        %dma_start3A_50 = tpu.memref_slice %arg3[%add3A_44] : memref<320000xi32, #tpu.memory_space<hbm>> -> memref<128xi32, #tpu.memory_space<hbm>>
        tpu.enqueue_dma source(%dma_start3A_50 : memref<128xi32, #tpu.memory_space<hbm>>) target(%arg6 : memref<128xi32, #tpu.memory_space<vmem>>) target_semaphore(%run_scoped3A : memref<!tpu.dma_semaphore, #tpu.memory_space<semaphore_mem>>)
        %dma_wait3A_51 = tpu.memref_slice %arg3[%add3A_44] : memref<320000xi32, #tpu.memory_space<hbm>> -> memref<128xi32, #tpu.memory_space<hbm>>
        %dma_wait3A_52 = tpu.memref_slice %arg3[%add3A_44] : memref<320000xi32, #tpu.memory_space<hbm>> -> memref<128xi32, #tpu.memory_space<hbm>>
        tpu.wait_dma2 semaphore(%run_scoped3A : memref<!tpu.dma_semaphore, #tpu.memory_space<semaphore_mem>>) src(%dma_wait3A_52 : memref<128xi32, #tpu.memory_space<hbm>>) dst(%arg6 : memref<128xi32, #tpu.memory_space<vmem>>)
        tpu.yield
      }) : () -> ()
      "tpu.region"() ({
        %run_scoped3A = tpu.sem_alloc : memref<!tpu.dma_semaphore, #tpu.memory_space<semaphore_mem>>
        %dma_start3A_49 = tpu.memref_slice %arg4[%add3A_44] : memref<320000xi32, #tpu.memory_space<hbm>> -> memref<128xi32, #tpu.memory_space<hbm>>
        %dma_start3A_50 = tpu.memref_slice %arg4[%add3A_44] : memref<320000xi32, #tpu.memory_space<hbm>> -> memref<128xi32, #tpu.memory_space<hbm>>
        tpu.enqueue_dma source(%dma_start3A_50 : memref<128xi32, #tpu.memory_space<hbm>>) target(%arg7 : memref<128xi32, #tpu.memory_space<vmem>>) target_semaphore(%run_scoped3A : memref<!tpu.dma_semaphore, #tpu.memory_space<semaphore_mem>>)
        %dma_wait3A_51 = tpu.memref_slice %arg4[%add3A_44] : memref<320000xi32, #tpu.memory_space<hbm>> -> memref<128xi32, #tpu.memory_space<hbm>>
        %dma_wait3A_52 = tpu.memref_slice %arg4[%add3A_44] : memref<320000xi32, #tpu.memory_space<hbm>> -> memref<128xi32, #tpu.memory_space<hbm>>
        tpu.wait_dma2 semaphore(%run_scoped3A : memref<!tpu.dma_semaphore, #tpu.memory_space<semaphore_mem>>) src(%dma_wait3A_52 : memref<128xi32, #tpu.memory_space<hbm>>) dst(%arg7 : memref<128xi32, #tpu.memory_space<vmem>>)
        tpu.yield
      }) : () -> ()
      %dma_start3A = arith.constant 0 : i32
      %dma_start3A_45 = arith.constant 0 : i32
      %dma_start3A_46 = tpu.memref_slice %arg2[%dma_start3A, %dma_start3A_45] : memref<50000x128xf32, #tpu.memory_space<hbm>> -> memref<50000x128xf32, #tpu.memory_space<hbm>>
      tpu.enqueue_indirect_dma source(%dma_start3A_46 : memref<50000x128xf32, #tpu.memory_space<hbm>>) target(%arg12 : memref<128x128xf32, #tpu.memory_space<vmem>>) offsets(%arg6 : memref<128xi32, #tpu.memory_space<vmem>>) semaphore(%arg16 : memref<!tpu.dma_semaphore, #tpu.memory_space<semaphore_mem>>)
      %dma_wait3A = arith.constant 0 : i32
      %dma_wait3A_47 = arith.constant 0 : i32
      %dma_wait3A_48 = tpu.memref_slice %arg2[%dma_wait3A, %dma_wait3A_47] : memref<50000x128xf32, #tpu.memory_space<hbm>> -> memref<50000x128xf32, #tpu.memory_space<hbm>>
      tpu.wait_indirect_dma semaphore(%arg16 : memref<!tpu.dma_semaphore, #tpu.memory_space<semaphore_mem>>) src(%dma_wait3A_48 : memref<50000x128xf32, #tpu.memory_space<hbm>>) dst(%arg12 : memref<128x128xf32, #tpu.memory_space<vmem>>)
      "tpu.region"() ({
        %run_scoped3A = tpu.sem_alloc : memref<!tpu.dma_semaphore, #tpu.memory_space<semaphore_mem>>
        %dma_start3A_49 = arith.constant 0 : i32
        %dma_start3A_50 = arith.constant 0 : i32
        %dma_start3A_51 = tpu.memref_slice %arg15[%dma_start3A_49, %dma_start3A_50] : memref<10000x128xf32, #tpu.memory_space<vmem_shared>> -> memref<10000x128xf32, #tpu.memory_space<vmem_shared>>
        tpu.enqueue_indirect_dma source(%arg12 : memref<128x128xf32, #tpu.memory_space<vmem>>) target(%dma_start3A_51 : memref<10000x128xf32, #tpu.memory_space<vmem_shared>>) offsets(%arg7 : memref<128xi32, #tpu.memory_space<vmem>>) semaphore(%run_scoped3A : memref<!tpu.dma_semaphore, #tpu.memory_space<semaphore_mem>>) {add = true}
        %dma_wait3A_52 = arith.constant 0 : i32
        %dma_wait3A_53 = arith.constant 0 : i32
        %dma_wait3A_54 = tpu.memref_slice %arg15[%dma_wait3A_52, %dma_wait3A_53] : memref<10000x128xf32, #tpu.memory_space<vmem_shared>> -> memref<10000x128xf32, #tpu.memory_space<vmem_shared>>
        tpu.wait_indirect_dma semaphore(%run_scoped3A : memref<!tpu.dma_semaphore, #tpu.memory_space<semaphore_mem>>) src(%arg12 : memref<128x128xf32, #tpu.memory_space<vmem>>) dst(%dma_wait3A_54 : memref<10000x128xf32, #tpu.memory_space<vmem_shared>>)
        tpu.yield
      }) : () -> ()
    } else {
    }
    %barrier3A_37 = arith.constant 0 : index
    tpu.barrier barrier_id(%barrier3A_37)
    "tpu.region"() ({
      %run_scoped3A = tpu.sem_alloc : memref<!tpu.dma_semaphore, #tpu.memory_space<semaphore_mem>>
      %dma_start3A = arith.constant 0 : i32
      %dma_start3A_43 = tpu.memref_slice %arg5[%arg0, %mul3A_8, %dma_start3A] : memref<2x10000x128xf32, #tpu.memory_space<hbm>> -> memref<1x624x128xf32, #tpu.memory_space<hbm>>
      %dma_start3A_44 = tpu.memref_squeeze %dma_start3A_43 : memref<1x624x128xf32, #tpu.memory_space<hbm>> -> memref<624x128xf32, #tpu.memory_space<hbm>>
      %dma_start3A_45 = arith.constant 0 : i32
      %dma_start3A_46 = tpu.memref_slice %arg15[%mul3A_8, %dma_start3A_45] : memref<10000x128xf32, #tpu.memory_space<vmem_shared>> -> memref<624x128xf32, #tpu.memory_space<vmem_shared>>
      tpu.enqueue_dma source(%dma_start3A_46 : memref<624x128xf32, #tpu.memory_space<vmem_shared>>) target(%dma_start3A_44 : memref<624x128xf32, #tpu.memory_space<hbm>>) target_semaphore(%run_scoped3A : memref<!tpu.dma_semaphore, #tpu.memory_space<semaphore_mem>>)
      %dma_wait3A = arith.constant 0 : i32
      %dma_wait3A_47 = tpu.memref_slice %arg5[%arg0, %mul3A_8, %dma_wait3A] : memref<2x10000x128xf32, #tpu.memory_space<hbm>> -> memref<1x624x128xf32, #tpu.memory_space<hbm>>
      %dma_wait3A_48 = tpu.memref_squeeze %dma_wait3A_47 : memref<1x624x128xf32, #tpu.memory_space<hbm>> -> memref<624x128xf32, #tpu.memory_space<hbm>>
      %dma_wait3A_49 = arith.constant 0 : i32
      %dma_wait3A_50 = tpu.memref_slice %arg15[%mul3A_8, %dma_wait3A_49] : memref<10000x128xf32, #tpu.memory_space<vmem_shared>> -> memref<624x128xf32, #tpu.memory_space<vmem_shared>>
      tpu.wait_dma2 semaphore(%run_scoped3A : memref<!tpu.dma_semaphore, #tpu.memory_space<semaphore_mem>>) src(%dma_wait3A_50 : memref<624x128xf32, #tpu.memory_space<vmem_shared>>) dst(%dma_wait3A_48 : memref<624x128xf32, #tpu.memory_space<hbm>>)
      tpu.yield
    }) : () -> ()
    %eq3A_38 = arith.constant 0 : i32
    %eq3A_39 = arith.cmpi eq, %arg1, %eq3A_38 : i32
    %convert_element_type3A_40 = arith.extui %eq3A_39 : i1 to i32
    %cond3A_41 = arith.constant 0 : i32
    %cond3A_42 = arith.cmpi ne, %convert_element_type3A_40, %cond3A_41 : i32
    scf.if %cond3A_42 {
      "tpu.region"() ({
        %run_scoped3A = tpu.sem_alloc : memref<!tpu.dma_semaphore, #tpu.memory_space<semaphore_mem>>
        %dma_start3A = arith.constant 9984 : i32
        %dma_start3A_43 = arith.constant 0 : i32
        %dma_start3A_44 = tpu.memref_slice %arg5[%arg0, %dma_start3A, %dma_start3A_43] : memref<2x10000x128xf32, #tpu.memory_space<hbm>> -> memref<1x16x128xf32, #tpu.memory_space<hbm>>
        %dma_start3A_45 = tpu.memref_squeeze %dma_start3A_44 : memref<1x16x128xf32, #tpu.memory_space<hbm>> -> memref<16x128xf32, #tpu.memory_space<hbm>>
        %dma_start3A_46 = arith.constant 9984 : i32
        %dma_start3A_47 = arith.constant 0 : i32
        %dma_start3A_48 = tpu.memref_slice %arg15[%dma_start3A_46, %dma_start3A_47] : memref<10000x128xf32, #tpu.memory_space<vmem_shared>> -> memref<16x128xf32, #tpu.memory_space<vmem_shared>>
        tpu.enqueue_dma source(%dma_start3A_48 : memref<16x128xf32, #tpu.memory_space<vmem_shared>>) target(%dma_start3A_45 : memref<16x128xf32, #tpu.memory_space<hbm>>) target_semaphore(%run_scoped3A : memref<!tpu.dma_semaphore, #tpu.memory_space<semaphore_mem>>)
        %dma_wait3A = arith.constant 9984 : i32
        %dma_wait3A_49 = arith.constant 0 : i32
        %dma_wait3A_50 = tpu.memref_slice %arg5[%arg0, %dma_wait3A, %dma_wait3A_49] : memref<2x10000x128xf32, #tpu.memory_space<hbm>> -> memref<1x16x128xf32, #tpu.memory_space<hbm>>
        %dma_wait3A_51 = tpu.memref_squeeze %dma_wait3A_50 : memref<1x16x128xf32, #tpu.memory_space<hbm>> -> memref<16x128xf32, #tpu.memory_space<hbm>>
        %dma_wait3A_52 = arith.constant 9984 : i32
        %dma_wait3A_53 = arith.constant 0 : i32
        %dma_wait3A_54 = tpu.memref_slice %arg15[%dma_wait3A_52, %dma_wait3A_53] : memref<10000x128xf32, #tpu.memory_space<vmem_shared>> -> memref<16x128xf32, #tpu.memory_space<vmem_shared>>
        tpu.wait_dma2 semaphore(%run_scoped3A : memref<!tpu.dma_semaphore, #tpu.memory_space<semaphore_mem>>) src(%dma_wait3A_54 : memref<16x128xf32, #tpu.memory_space<vmem_shared>>) dst(%dma_wait3A_51 : memref<16x128xf32, #tpu.memory_space<hbm>>)
        tpu.yield
      }) : () -> ()
    } else {
    }
    return
  }
}

#map = affine_map<(d0, d1) -> (0, 0)>
#map1 = affine_map<(d0, d1) -> (0)>
#map2 = affine_map<(d0, d1) -> (0, 0, 0)>
module attributes {stable_mosaic.version = 14 : i64} {
  func.func @_sc_agg(%arg0: i32, %arg1: i32, %arg2: memref<50000x128xf32, #tpu.memory_space<hbm>>, %arg3: memref<320000xi32, #tpu.memory_space<hbm>>, %arg4: memref<320000xi32, #tpu.memory_space<hbm>>, %arg5: memref<2x10000x128xf32, #tpu.memory_space<hbm>>, %arg6: memref<128xi32, #tpu.memory_space<vmem>>, %arg7: memref<128xi32, #tpu.memory_space<vmem>>, %arg8: memref<128xi32, #tpu.memory_space<vmem>>, %arg9: memref<128xi32, #tpu.memory_space<vmem>>, %arg10: memref<128xi32, #tpu.memory_space<vmem>>, %arg11: memref<128xi32, #tpu.memory_space<vmem>>, %arg12: memref<128x128xf32, #tpu.memory_space<vmem>>, %arg13: memref<128x128xf32, #tpu.memory_space<vmem>>, %arg14: memref<128x128xf32, #tpu.memory_space<vmem>>, %arg15: memref<10000x128xf32, #tpu.memory_space<vmem_shared>>, %arg16: memref<!tpu.dma_semaphore, #tpu.memory_space<semaphore_mem>>, %arg17: memref<!tpu.dma_semaphore, #tpu.memory_space<semaphore_mem>>, %arg18: memref<!tpu.dma_semaphore, #tpu.memory_space<semaphore_mem>>) attributes {dimension_semantics = [#tpu.dimension_semantics<core_parallel>, #tpu.dimension_semantics<subcore_parallel>], iteration_bounds = array<i64: 2, 16>, scalar_prefetch = 0 : i64, scratch_operands = 13 : i64, tpu.core_type = #tpu.core_type<sc_vector_subcore>, window_params = [{transform_indices = #map}, {transform_indices = #map1}, {transform_indices = #map1}, {transform_indices = #map2}]} {
    %mul3A = arith.constant 16 : i32
    %mul3A_0 = arith.muli %arg0, %mul3A : i32
    %add3A = arith.addi %mul3A_0, %arg1 : i32
    %broadcast_in_dim3A = arith.constant 0.000000e+00 : f32
    %broadcast_in_dim3A_1 = vector.broadcast %broadcast_in_dim3A : f32 to vector<16xf32>
    %scan3A = arith.constant 0 : i32
    %scan3A_2 = arith.constant 0 : i32
    %scan3A_3 = arith.constant 1024 : i32
    %scan3A_4 = arith.addi %scan3A_2, %scan3A_3 : i32
    %scan3A_5 = arith.constant 1 : i32
    scf.for %scan3A_43 = %scan3A_2 to %scan3A_4 step %scan3A_5  : i32 {
      %jit3A = arith.constant 8 : i32
      %div3A = arith.divsi %scan3A_43, %jit3A : i32
      %sign3A = arith.constant 0 : i32
      %sign3A_44 = arith.cmpi sgt, %scan3A_43, %sign3A : i32
      %sign3A_45 = arith.extui %sign3A_44 : i1 to i32
      %sign3A_46 = arith.constant 0 : i32
      %sign3A_47 = arith.cmpi slt, %scan3A_43, %sign3A_46 : i32
      %sign3A_48 = arith.extui %sign3A_47 : i1 to i32
      %sign3A_49 = arith.subi %sign3A_45, %sign3A_48 : i32
      %sign3A_50 = arith.constant 0 : i32
      %sign3A_51 = arith.cmpi sgt, %jit3A, %sign3A_50 : i32
      %sign3A_52 = arith.extui %sign3A_51 : i1 to i32
      %sign3A_53 = arith.constant 0 : i32
      %sign3A_54 = arith.cmpi slt, %jit3A, %sign3A_53 : i32
      %sign3A_55 = arith.extui %sign3A_54 : i1 to i32
      %sign3A_56 = arith.subi %sign3A_52, %sign3A_55 : i32
      %ne3A = arith.cmpi ne, %sign3A_49, %sign3A_56 : i32
      %rem3A = arith.remsi %scan3A_43, %jit3A : i32
      %ne3A_57 = arith.constant 0 : i32
      %ne3A_58 = arith.cmpi ne, %rem3A, %ne3A_57 : i32
      %and3A = arith.andi %ne3A, %ne3A_58 : i1
      %sub3A = arith.constant 1 : i32
      %sub3A_59 = arith.subi %div3A, %sub3A : i32
      %select_n3A = arith.select %and3A, %sub3A_59, %div3A : i32
      %jit3A_60 = arith.constant 8 : i32
      %eq3A_61 = arith.constant 0 : i32
      %eq3A_62 = arith.cmpi eq, %jit3A_60, %eq3A_61 : i32
      %jit3A_63 = arith.constant 1 : i32
      %select_n3A_64 = arith.select %eq3A_62, %jit3A_63, %jit3A_60 : i32
      %rem3A_65 = arith.remsi %scan3A_43, %select_n3A_64 : i32
      %ne3A_66 = arith.constant 0 : i32
      %ne3A_67 = arith.cmpi ne, %rem3A_65, %ne3A_66 : i32
      %lt3A_68 = arith.constant 0 : i32
      %lt3A_69 = arith.cmpi slt, %rem3A_65, %lt3A_68 : i32
      %lt3A_70 = arith.constant 0 : i32
      %lt3A_71 = arith.cmpi slt, %select_n3A_64, %lt3A_70 : i32
      %ne3A_72 = arith.xori %lt3A_69, %lt3A_71 : i1
      %and3A_73 = arith.andi %ne3A_72, %ne3A_67 : i1
      %add3A_74 = arith.addi %rem3A_65, %select_n3A_64 : i32
      %select_n3A_75 = arith.select %and3A_73, %add3A_74, %rem3A_65 : i32
      %mul3A_76 = arith.constant 16 : i32
      %mul3A_77 = arith.muli %select_n3A_75, %mul3A_76 : i32
      %swap3A = arith.index_cast %select_n3A : i32 to index
      %swap3A_78 = arith.index_cast %mul3A_77 : i32 to index
      %swap3A_79 = tpu.vector_load %arg12[%swap3A, %swap3A_78] {strides = array<i32>} : memref<128x128xf32, #tpu.memory_space<vmem>>, vector<1x16xf32>,
      %swap3A_80 = vector.shape_cast %swap3A_79 : vector<1x16xf32> to vector<16xf32>
      %swap3A_81 = vector.shape_cast %broadcast_in_dim3A_1 : vector<16xf32> to vector<1x16xf32>
      tpu.vector_store %arg12[%swap3A, %swap3A_78], %swap3A_81 {strides = array<i32>} : memref<128x128xf32, #tpu.memory_space<vmem>>, vector<1x16xf32>,
    }
    %scan3A_6 = arith.constant 1024 : i32
    %mul3A_7 = arith.constant 624 : i32
    %mul3A_8 = arith.muli %arg1, %mul3A_7 : i32
    %add3A_9 = arith.constant 0 : i32
    %add3A_10 = arith.addi %mul3A_8, %add3A_9 : i32
    "tpu.region"() ({
      %run_scoped3A = tpu.sem_alloc : memref<!tpu.dma_semaphore, #tpu.memory_space<semaphore_mem>>
      %dma_start3A = arith.constant 0 : i32
      %dma_start3A_43 = tpu.memref_slice %arg15[%add3A_10, %dma_start3A] : memref<10000x128xf32, #tpu.memory_space<vmem_shared>> -> memref<128x128xf32, #tpu.memory_space<vmem_shared>>
      %dma_start3A_44 = arith.constant 0 : i32
      %dma_start3A_45 = tpu.memref_slice %arg15[%add3A_10, %dma_start3A_44] : memref<10000x128xf32, #tpu.memory_space<vmem_shared>> -> memref<128x128xf32, #tpu.memory_space<vmem_shared>>
      tpu.enqueue_dma source(%arg12 : memref<128x128xf32, #tpu.memory_space<vmem>>) target(%dma_start3A_45 : memref<128x128xf32, #tpu.memory_space<vmem_shared>>) target_semaphore(%run_scoped3A : memref<!tpu.dma_semaphore, #tpu.memory_space<semaphore_mem>>)
      %dma_wait3A = arith.constant 0 : i32
      %dma_wait3A_46 = tpu.memref_slice %arg15[%add3A_10, %dma_wait3A] : memref<10000x128xf32, #tpu.memory_space<vmem_shared>> -> memref<128x128xf32, #tpu.memory_space<vmem_shared>>
      %dma_wait3A_47 = arith.constant 0 : i32
      %dma_wait3A_48 = tpu.memref_slice %arg15[%add3A_10, %dma_wait3A_47] : memref<10000x128xf32, #tpu.memory_space<vmem_shared>> -> memref<128x128xf32, #tpu.memory_space<vmem_shared>>
      tpu.wait_dma2 semaphore(%run_scoped3A : memref<!tpu.dma_semaphore, #tpu.memory_space<semaphore_mem>>) src(%arg12 : memref<128x128xf32, #tpu.memory_space<vmem>>) dst(%dma_wait3A_48 : memref<128x128xf32, #tpu.memory_space<vmem_shared>>)
      tpu.yield
    }) : () -> ()
    %add3A_11 = arith.constant 128 : i32
    %add3A_12 = arith.addi %mul3A_8, %add3A_11 : i32
    "tpu.region"() ({
      %run_scoped3A = tpu.sem_alloc : memref<!tpu.dma_semaphore, #tpu.memory_space<semaphore_mem>>
      %dma_start3A = arith.constant 0 : i32
      %dma_start3A_43 = tpu.memref_slice %arg15[%add3A_12, %dma_start3A] : memref<10000x128xf32, #tpu.memory_space<vmem_shared>> -> memref<128x128xf32, #tpu.memory_space<vmem_shared>>
      %dma_start3A_44 = arith.constant 0 : i32
      %dma_start3A_45 = tpu.memref_slice %arg15[%add3A_12, %dma_start3A_44] : memref<10000x128xf32, #tpu.memory_space<vmem_shared>> -> memref<128x128xf32, #tpu.memory_space<vmem_shared>>
      tpu.enqueue_dma source(%arg12 : memref<128x128xf32, #tpu.memory_space<vmem>>) target(%dma_start3A_45 : memref<128x128xf32, #tpu.memory_space<vmem_shared>>) target_semaphore(%run_scoped3A : memref<!tpu.dma_semaphore, #tpu.memory_space<semaphore_mem>>)
      %dma_wait3A = arith.constant 0 : i32
      %dma_wait3A_46 = tpu.memref_slice %arg15[%add3A_12, %dma_wait3A] : memref<10000x128xf32, #tpu.memory_space<vmem_shared>> -> memref<128x128xf32, #tpu.memory_space<vmem_shared>>
      %dma_wait3A_47 = arith.constant 0 : i32
      %dma_wait3A_48 = tpu.memref_slice %arg15[%add3A_12, %dma_wait3A_47] : memref<10000x128xf32, #tpu.memory_space<vmem_shared>> -> memref<128x128xf32, #tpu.memory_space<vmem_shared>>
      tpu.wait_dma2 semaphore(%run_scoped3A : memref<!tpu.dma_semaphore, #tpu.memory_space<semaphore_mem>>) src(%arg12 : memref<128x128xf32, #tpu.memory_space<vmem>>) dst(%dma_wait3A_48 : memref<128x128xf32, #tpu.memory_space<vmem_shared>>)
      tpu.yield
    }) : () -> ()
    %add3A_13 = arith.constant 256 : i32
    %add3A_14 = arith.addi %mul3A_8, %add3A_13 : i32
    "tpu.region"() ({
      %run_scoped3A = tpu.sem_alloc : memref<!tpu.dma_semaphore, #tpu.memory_space<semaphore_mem>>
      %dma_start3A = arith.constant 0 : i32
      %dma_start3A_43 = tpu.memref_slice %arg15[%add3A_14, %dma_start3A] : memref<10000x128xf32, #tpu.memory_space<vmem_shared>> -> memref<128x128xf32, #tpu.memory_space<vmem_shared>>
      %dma_start3A_44 = arith.constant 0 : i32
      %dma_start3A_45 = tpu.memref_slice %arg15[%add3A_14, %dma_start3A_44] : memref<10000x128xf32, #tpu.memory_space<vmem_shared>> -> memref<128x128xf32, #tpu.memory_space<vmem_shared>>
      tpu.enqueue_dma source(%arg12 : memref<128x128xf32, #tpu.memory_space<vmem>>) target(%dma_start3A_45 : memref<128x128xf32, #tpu.memory_space<vmem_shared>>) target_semaphore(%run_scoped3A : memref<!tpu.dma_semaphore, #tpu.memory_space<semaphore_mem>>)
      %dma_wait3A = arith.constant 0 : i32
      %dma_wait3A_46 = tpu.memref_slice %arg15[%add3A_14, %dma_wait3A] : memref<10000x128xf32, #tpu.memory_space<vmem_shared>> -> memref<128x128xf32, #tpu.memory_space<vmem_shared>>
      %dma_wait3A_47 = arith.constant 0 : i32
      %dma_wait3A_48 = tpu.memref_slice %arg15[%add3A_14, %dma_wait3A_47] : memref<10000x128xf32, #tpu.memory_space<vmem_shared>> -> memref<128x128xf32, #tpu.memory_space<vmem_shared>>
      tpu.wait_dma2 semaphore(%run_scoped3A : memref<!tpu.dma_semaphore, #tpu.memory_space<semaphore_mem>>) src(%arg12 : memref<128x128xf32, #tpu.memory_space<vmem>>) dst(%dma_wait3A_48 : memref<128x128xf32, #tpu.memory_space<vmem_shared>>)
      tpu.yield
    }) : () -> ()
    %add3A_15 = arith.constant 384 : i32
    %add3A_16 = arith.addi %mul3A_8, %add3A_15 : i32
    "tpu.region"() ({
      %run_scoped3A = tpu.sem_alloc : memref<!tpu.dma_semaphore, #tpu.memory_space<semaphore_mem>>
      %dma_start3A = arith.constant 0 : i32
      %dma_start3A_43 = tpu.memref_slice %arg15[%add3A_16, %dma_start3A] : memref<10000x128xf32, #tpu.memory_space<vmem_shared>> -> memref<128x128xf32, #tpu.memory_space<vmem_shared>>
      %dma_start3A_44 = arith.constant 0 : i32
      %dma_start3A_45 = tpu.memref_slice %arg15[%add3A_16, %dma_start3A_44] : memref<10000x128xf32, #tpu.memory_space<vmem_shared>> -> memref<128x128xf32, #tpu.memory_space<vmem_shared>>
      tpu.enqueue_dma source(%arg12 : memref<128x128xf32, #tpu.memory_space<vmem>>) target(%dma_start3A_45 : memref<128x128xf32, #tpu.memory_space<vmem_shared>>) target_semaphore(%run_scoped3A : memref<!tpu.dma_semaphore, #tpu.memory_space<semaphore_mem>>)
      %dma_wait3A = arith.constant 0 : i32
      %dma_wait3A_46 = tpu.memref_slice %arg15[%add3A_16, %dma_wait3A] : memref<10000x128xf32, #tpu.memory_space<vmem_shared>> -> memref<128x128xf32, #tpu.memory_space<vmem_shared>>
      %dma_wait3A_47 = arith.constant 0 : i32
      %dma_wait3A_48 = tpu.memref_slice %arg15[%add3A_16, %dma_wait3A_47] : memref<10000x128xf32, #tpu.memory_space<vmem_shared>> -> memref<128x128xf32, #tpu.memory_space<vmem_shared>>
      tpu.wait_dma2 semaphore(%run_scoped3A : memref<!tpu.dma_semaphore, #tpu.memory_space<semaphore_mem>>) src(%arg12 : memref<128x128xf32, #tpu.memory_space<vmem>>) dst(%dma_wait3A_48 : memref<128x128xf32, #tpu.memory_space<vmem_shared>>)
      tpu.yield
    }) : () -> ()
    %add3A_17 = arith.constant 512 : i32
    %add3A_18 = arith.addi %mul3A_8, %add3A_17 : i32
    "tpu.region"() ({
      %run_scoped3A = tpu.sem_alloc : memref<!tpu.dma_semaphore, #tpu.memory_space<semaphore_mem>>
      %dma_start3A = arith.constant 0 : i32
      %dma_start3A_43 = arith.constant 0 : i32
      %dma_start3A_44 = tpu.memref_slice %arg12[%dma_start3A, %dma_start3A_43] : memref<128x128xf32, #tpu.memory_space<vmem>> -> memref<112x128xf32, #tpu.memory_space<vmem>>
      %dma_start3A_45 = arith.constant 0 : i32
      %dma_start3A_46 = tpu.memref_slice %arg15[%add3A_18, %dma_start3A_45] : memref<10000x128xf32, #tpu.memory_space<vmem_shared>> -> memref<112x128xf32, #tpu.memory_space<vmem_shared>>
      %dma_start3A_47 = arith.constant 0 : i32
      %dma_start3A_48 = tpu.memref_slice %arg15[%add3A_18, %dma_start3A_47] : memref<10000x128xf32, #tpu.memory_space<vmem_shared>> -> memref<112x128xf32, #tpu.memory_space<vmem_shared>>
      %dma_start3A_49 = arith.constant 0 : i32
      %dma_start3A_50 = arith.constant 0 : i32
      %dma_start3A_51 = tpu.memref_slice %arg12[%dma_start3A_49, %dma_start3A_50] : memref<128x128xf32, #tpu.memory_space<vmem>> -> memref<112x128xf32, #tpu.memory_space<vmem>>
      tpu.enqueue_dma source(%dma_start3A_51 : memref<112x128xf32, #tpu.memory_space<vmem>>) target(%dma_start3A_48 : memref<112x128xf32, #tpu.memory_space<vmem_shared>>) target_semaphore(%run_scoped3A : memref<!tpu.dma_semaphore, #tpu.memory_space<semaphore_mem>>)
      %dma_wait3A = arith.constant 0 : i32
      %dma_wait3A_52 = arith.constant 0 : i32
      %dma_wait3A_53 = tpu.memref_slice %arg12[%dma_wait3A, %dma_wait3A_52] : memref<128x128xf32, #tpu.memory_space<vmem>> -> memref<112x128xf32, #tpu.memory_space<vmem>>
      %dma_wait3A_54 = arith.constant 0 : i32
      %dma_wait3A_55 = tpu.memref_slice %arg15[%add3A_18, %dma_wait3A_54] : memref<10000x128xf32, #tpu.memory_space<vmem_shared>> -> memref<112x128xf32, #tpu.memory_space<vmem_shared>>
      %dma_wait3A_56 = arith.constant 0 : i32
      %dma_wait3A_57 = tpu.memref_slice %arg15[%add3A_18, %dma_wait3A_56] : memref<10000x128xf32, #tpu.memory_space<vmem_shared>> -> memref<112x128xf32, #tpu.memory_space<vmem_shared>>
      %dma_wait3A_58 = arith.constant 0 : i32
      %dma_wait3A_59 = arith.constant 0 : i32
      %dma_wait3A_60 = tpu.memref_slice %arg12[%dma_wait3A_58, %dma_wait3A_59] : memref<128x128xf32, #tpu.memory_space<vmem>> -> memref<112x128xf32, #tpu.memory_space<vmem>>
      tpu.wait_dma2 semaphore(%run_scoped3A : memref<!tpu.dma_semaphore, #tpu.memory_space<semaphore_mem>>) src(%dma_wait3A_60 : memref<112x128xf32, #tpu.memory_space<vmem>>) dst(%dma_wait3A_57 : memref<112x128xf32, #tpu.memory_space<vmem_shared>>)
      tpu.yield
    }) : () -> ()
    %eq3A = arith.constant 0 : i32
    %eq3A_19 = arith.cmpi eq, %arg1, %eq3A : i32
    %convert_element_type3A = arith.extui %eq3A_19 : i1 to i32
    %cond3A = arith.constant 0 : i32
    %cond3A_20 = arith.cmpi ne, %convert_element_type3A, %cond3A : i32
    scf.if %cond3A_20 {
      "tpu.region"() ({
        %run_scoped3A = tpu.sem_alloc : memref<!tpu.dma_semaphore, #tpu.memory_space<semaphore_mem>>
        %dma_start3A = arith.constant 0 : i32
        %dma_start3A_43 = arith.constant 0 : i32
        %dma_start3A_44 = tpu.memref_slice %arg12[%dma_start3A, %dma_start3A_43] : memref<128x128xf32, #tpu.memory_space<vmem>> -> memref<16x128xf32, #tpu.memory_space<vmem>>
        %dma_start3A_45 = arith.constant 9984 : i32
        %dma_start3A_46 = arith.constant 0 : i32
        %dma_start3A_47 = tpu.memref_slice %arg15[%dma_start3A_45, %dma_start3A_46] : memref<10000x128xf32, #tpu.memory_space<vmem_shared>> -> memref<16x128xf32, #tpu.memory_space<vmem_shared>>
        %dma_start3A_48 = arith.constant 9984 : i32
        %dma_start3A_49 = arith.constant 0 : i32
        %dma_start3A_50 = tpu.memref_slice %arg15[%dma_start3A_48, %dma_start3A_49] : memref<10000x128xf32, #tpu.memory_space<vmem_shared>> -> memref<16x128xf32, #tpu.memory_space<vmem_shared>>
        %dma_start3A_51 = arith.constant 0 : i32
        %dma_start3A_52 = arith.constant 0 : i32
        %dma_start3A_53 = tpu.memref_slice %arg12[%dma_start3A_51, %dma_start3A_52] : memref<128x128xf32, #tpu.memory_space<vmem>> -> memref<16x128xf32, #tpu.memory_space<vmem>>
        tpu.enqueue_dma source(%dma_start3A_53 : memref<16x128xf32, #tpu.memory_space<vmem>>) target(%dma_start3A_50 : memref<16x128xf32, #tpu.memory_space<vmem_shared>>) target_semaphore(%run_scoped3A : memref<!tpu.dma_semaphore, #tpu.memory_space<semaphore_mem>>)
        %dma_wait3A = arith.constant 0 : i32
        %dma_wait3A_54 = arith.constant 0 : i32
        %dma_wait3A_55 = tpu.memref_slice %arg12[%dma_wait3A, %dma_wait3A_54] : memref<128x128xf32, #tpu.memory_space<vmem>> -> memref<16x128xf32, #tpu.memory_space<vmem>>
        %dma_wait3A_56 = arith.constant 9984 : i32
        %dma_wait3A_57 = arith.constant 0 : i32
        %dma_wait3A_58 = tpu.memref_slice %arg15[%dma_wait3A_56, %dma_wait3A_57] : memref<10000x128xf32, #tpu.memory_space<vmem_shared>> -> memref<16x128xf32, #tpu.memory_space<vmem_shared>>
        %dma_wait3A_59 = arith.constant 9984 : i32
        %dma_wait3A_60 = arith.constant 0 : i32
        %dma_wait3A_61 = tpu.memref_slice %arg15[%dma_wait3A_59, %dma_wait3A_60] : memref<10000x128xf32, #tpu.memory_space<vmem_shared>> -> memref<16x128xf32, #tpu.memory_space<vmem_shared>>
        %dma_wait3A_62 = arith.constant 0 : i32
        %dma_wait3A_63 = arith.constant 0 : i32
        %dma_wait3A_64 = tpu.memref_slice %arg12[%dma_wait3A_62, %dma_wait3A_63] : memref<128x128xf32, #tpu.memory_space<vmem>> -> memref<16x128xf32, #tpu.memory_space<vmem>>
        tpu.wait_dma2 semaphore(%run_scoped3A : memref<!tpu.dma_semaphore, #tpu.memory_space<semaphore_mem>>) src(%dma_wait3A_64 : memref<16x128xf32, #tpu.memory_space<vmem>>) dst(%dma_wait3A_61 : memref<16x128xf32, #tpu.memory_space<vmem_shared>>)
        tpu.yield
      }) : () -> ()
    } else {
    }
    %barrier3A = arith.constant 0 : index
    tpu.barrier barrier_id(%barrier3A)
    %mul3A_21 = arith.constant 78 : i32
    %mul3A_22 = arith.muli %mul3A_21, %add3A : i32
    %min3A = arith.constant 4 : i32
    %min3A_23 = arith.minsi %add3A, %min3A : i32
    %add3A_24 = arith.addi %mul3A_22, %min3A_23 : i32
    %mul3A_25 = arith.constant 128 : i32
    %mul3A_26 = arith.muli %add3A_24, %mul3A_25 : i32
    %scan3A_27 = arith.constant 0 : i32
    %scan3A_28 = arith.constant 0 : i32
    %scan3A_29 = arith.constant 26 : i32
    %scan3A_30 = arith.addi %scan3A_28, %scan3A_29 : i32
    %scan3A_31 = arith.constant 1 : i32
    scf.for %scan3A_43 = %scan3A_28 to %scan3A_30 step %scan3A_31  : i32 {
      %mul3A_44 = arith.constant 3 : i32
      %mul3A_45 = arith.muli %mul3A_44, %scan3A_43 : i32
      %mul3A_46 = arith.constant 128 : i32
      %mul3A_47 = arith.muli %mul3A_45, %mul3A_46 : i32
      %add3A_48 = arith.addi %mul3A_26, %mul3A_47 : i32
      %add3A_49 = arith.constant 128 : i32
      %add3A_50 = arith.addi %add3A_48, %add3A_49 : i32
      %add3A_51 = arith.constant 256 : i32
      %add3A_52 = arith.addi %add3A_48, %add3A_51 : i32
      %dma_start3A = tpu.memref_slice %arg3[%add3A_48] : memref<320000xi32, #tpu.memory_space<hbm>> -> memref<128xi32, #tpu.memory_space<hbm>>
      %dma_start3A_53 = tpu.memref_slice %arg3[%add3A_48] : memref<320000xi32, #tpu.memory_space<hbm>> -> memref<128xi32, #tpu.memory_space<hbm>>
      tpu.enqueue_dma source(%dma_start3A_53 : memref<128xi32, #tpu.memory_space<hbm>>) target(%arg6 : memref<128xi32, #tpu.memory_space<vmem>>) target_semaphore(%arg16 : memref<!tpu.dma_semaphore, #tpu.memory_space<semaphore_mem>>)
      %dma_start3A_54 = tpu.memref_slice %arg4[%add3A_48] : memref<320000xi32, #tpu.memory_space<hbm>> -> memref<128xi32, #tpu.memory_space<hbm>>
      %dma_start3A_55 = tpu.memref_slice %arg4[%add3A_48] : memref<320000xi32, #tpu.memory_space<hbm>> -> memref<128xi32, #tpu.memory_space<hbm>>
      tpu.enqueue_dma source(%dma_start3A_55 : memref<128xi32, #tpu.memory_space<hbm>>) target(%arg7 : memref<128xi32, #tpu.memory_space<vmem>>) target_semaphore(%arg16 : memref<!tpu.dma_semaphore, #tpu.memory_space<semaphore_mem>>)
      %dma_start3A_56 = tpu.memref_slice %arg3[%add3A_50] : memref<320000xi32, #tpu.memory_space<hbm>> -> memref<128xi32, #tpu.memory_space<hbm>>
      %dma_start3A_57 = tpu.memref_slice %arg3[%add3A_50] : memref<320000xi32, #tpu.memory_space<hbm>> -> memref<128xi32, #tpu.memory_space<hbm>>
      tpu.enqueue_dma source(%dma_start3A_57 : memref<128xi32, #tpu.memory_space<hbm>>) target(%arg8 : memref<128xi32, #tpu.memory_space<vmem>>) target_semaphore(%arg17 : memref<!tpu.dma_semaphore, #tpu.memory_space<semaphore_mem>>)
      %dma_start3A_58 = tpu.memref_slice %arg4[%add3A_50] : memref<320000xi32, #tpu.memory_space<hbm>> -> memref<128xi32, #tpu.memory_space<hbm>>
      %dma_start3A_59 = tpu.memref_slice %arg4[%add3A_50] : memref<320000xi32, #tpu.memory_space<hbm>> -> memref<128xi32, #tpu.memory_space<hbm>>
      tpu.enqueue_dma source(%dma_start3A_59 : memref<128xi32, #tpu.memory_space<hbm>>) target(%arg9 : memref<128xi32, #tpu.memory_space<vmem>>) target_semaphore(%arg17 : memref<!tpu.dma_semaphore, #tpu.memory_space<semaphore_mem>>)
      %dma_start3A_60 = tpu.memref_slice %arg3[%add3A_52] : memref<320000xi32, #tpu.memory_space<hbm>> -> memref<128xi32, #tpu.memory_space<hbm>>
      %dma_start3A_61 = tpu.memref_slice %arg3[%add3A_52] : memref<320000xi32, #tpu.memory_space<hbm>> -> memref<128xi32, #tpu.memory_space<hbm>>
      tpu.enqueue_dma source(%dma_start3A_61 : memref<128xi32, #tpu.memory_space<hbm>>) target(%arg10 : memref<128xi32, #tpu.memory_space<vmem>>) target_semaphore(%arg18 : memref<!tpu.dma_semaphore, #tpu.memory_space<semaphore_mem>>)
      %dma_start3A_62 = tpu.memref_slice %arg4[%add3A_52] : memref<320000xi32, #tpu.memory_space<hbm>> -> memref<128xi32, #tpu.memory_space<hbm>>
      %dma_start3A_63 = tpu.memref_slice %arg4[%add3A_52] : memref<320000xi32, #tpu.memory_space<hbm>> -> memref<128xi32, #tpu.memory_space<hbm>>
      tpu.enqueue_dma source(%dma_start3A_63 : memref<128xi32, #tpu.memory_space<hbm>>) target(%arg11 : memref<128xi32, #tpu.memory_space<vmem>>) target_semaphore(%arg18 : memref<!tpu.dma_semaphore, #tpu.memory_space<semaphore_mem>>)
      %dma_wait3A = tpu.memref_slice %arg3[%add3A_48] : memref<320000xi32, #tpu.memory_space<hbm>> -> memref<128xi32, #tpu.memory_space<hbm>>
      %dma_wait3A_64 = tpu.memref_slice %arg3[%add3A_48] : memref<320000xi32, #tpu.memory_space<hbm>> -> memref<128xi32, #tpu.memory_space<hbm>>
      tpu.wait_dma2 semaphore(%arg16 : memref<!tpu.dma_semaphore, #tpu.memory_space<semaphore_mem>>) src(%dma_wait3A_64 : memref<128xi32, #tpu.memory_space<hbm>>) dst(%arg6 : memref<128xi32, #tpu.memory_space<vmem>>)
      %dma_wait3A_65 = tpu.memref_slice %arg4[%add3A_48] : memref<320000xi32, #tpu.memory_space<hbm>> -> memref<128xi32, #tpu.memory_space<hbm>>
      %dma_wait3A_66 = tpu.memref_slice %arg4[%add3A_48] : memref<320000xi32, #tpu.memory_space<hbm>> -> memref<128xi32, #tpu.memory_space<hbm>>
      tpu.wait_dma2 semaphore(%arg16 : memref<!tpu.dma_semaphore, #tpu.memory_space<semaphore_mem>>) src(%dma_wait3A_66 : memref<128xi32, #tpu.memory_space<hbm>>) dst(%arg7 : memref<128xi32, #tpu.memory_space<vmem>>)
      %dma_start3A_67 = arith.constant 0 : i32
      %dma_start3A_68 = arith.constant 0 : i32
      %dma_start3A_69 = tpu.memref_slice %arg2[%dma_start3A_67, %dma_start3A_68] : memref<50000x128xf32, #tpu.memory_space<hbm>> -> memref<50000x128xf32, #tpu.memory_space<hbm>>
      tpu.enqueue_indirect_dma source(%dma_start3A_69 : memref<50000x128xf32, #tpu.memory_space<hbm>>) target(%arg12 : memref<128x128xf32, #tpu.memory_space<vmem>>) offsets(%arg6 : memref<128xi32, #tpu.memory_space<vmem>>) semaphore(%arg16 : memref<!tpu.dma_semaphore, #tpu.memory_space<semaphore_mem>>)
      %dma_wait3A_70 = tpu.memref_slice %arg3[%add3A_50] : memref<320000xi32, #tpu.memory_space<hbm>> -> memref<128xi32, #tpu.memory_space<hbm>>
      %dma_wait3A_71 = tpu.memref_slice %arg3[%add3A_50] : memref<320000xi32, #tpu.memory_space<hbm>> -> memref<128xi32, #tpu.memory_space<hbm>>
      tpu.wait_dma2 semaphore(%arg17 : memref<!tpu.dma_semaphore, #tpu.memory_space<semaphore_mem>>) src(%dma_wait3A_71 : memref<128xi32, #tpu.memory_space<hbm>>) dst(%arg8 : memref<128xi32, #tpu.memory_space<vmem>>)
      %dma_wait3A_72 = tpu.memref_slice %arg4[%add3A_50] : memref<320000xi32, #tpu.memory_space<hbm>> -> memref<128xi32, #tpu.memory_space<hbm>>
      %dma_wait3A_73 = tpu.memref_slice %arg4[%add3A_50] : memref<320000xi32, #tpu.memory_space<hbm>> -> memref<128xi32, #tpu.memory_space<hbm>>
      tpu.wait_dma2 semaphore(%arg17 : memref<!tpu.dma_semaphore, #tpu.memory_space<semaphore_mem>>) src(%dma_wait3A_73 : memref<128xi32, #tpu.memory_space<hbm>>) dst(%arg9 : memref<128xi32, #tpu.memory_space<vmem>>)
      %dma_start3A_74 = arith.constant 0 : i32
      %dma_start3A_75 = arith.constant 0 : i32
      %dma_start3A_76 = tpu.memref_slice %arg2[%dma_start3A_74, %dma_start3A_75] : memref<50000x128xf32, #tpu.memory_space<hbm>> -> memref<50000x128xf32, #tpu.memory_space<hbm>>
      tpu.enqueue_indirect_dma source(%dma_start3A_76 : memref<50000x128xf32, #tpu.memory_space<hbm>>) target(%arg13 : memref<128x128xf32, #tpu.memory_space<vmem>>) offsets(%arg8 : memref<128xi32, #tpu.memory_space<vmem>>) semaphore(%arg17 : memref<!tpu.dma_semaphore, #tpu.memory_space<semaphore_mem>>)
      %dma_wait3A_77 = tpu.memref_slice %arg3[%add3A_52] : memref<320000xi32, #tpu.memory_space<hbm>> -> memref<128xi32, #tpu.memory_space<hbm>>
      %dma_wait3A_78 = tpu.memref_slice %arg3[%add3A_52] : memref<320000xi32, #tpu.memory_space<hbm>> -> memref<128xi32, #tpu.memory_space<hbm>>
      tpu.wait_dma2 semaphore(%arg18 : memref<!tpu.dma_semaphore, #tpu.memory_space<semaphore_mem>>) src(%dma_wait3A_78 : memref<128xi32, #tpu.memory_space<hbm>>) dst(%arg10 : memref<128xi32, #tpu.memory_space<vmem>>)
      %dma_wait3A_79 = tpu.memref_slice %arg4[%add3A_52] : memref<320000xi32, #tpu.memory_space<hbm>> -> memref<128xi32, #tpu.memory_space<hbm>>
      %dma_wait3A_80 = tpu.memref_slice %arg4[%add3A_52] : memref<320000xi32, #tpu.memory_space<hbm>> -> memref<128xi32, #tpu.memory_space<hbm>>
      tpu.wait_dma2 semaphore(%arg18 : memref<!tpu.dma_semaphore, #tpu.memory_space<semaphore_mem>>) src(%dma_wait3A_80 : memref<128xi32, #tpu.memory_space<hbm>>) dst(%arg11 : memref<128xi32, #tpu.memory_space<vmem>>)
      %dma_start3A_81 = arith.constant 0 : i32
      %dma_start3A_82 = arith.constant 0 : i32
      %dma_start3A_83 = tpu.memref_slice %arg2[%dma_start3A_81, %dma_start3A_82] : memref<50000x128xf32, #tpu.memory_space<hbm>> -> memref<50000x128xf32, #tpu.memory_space<hbm>>
      tpu.enqueue_indirect_dma source(%dma_start3A_83 : memref<50000x128xf32, #tpu.memory_space<hbm>>) target(%arg14 : memref<128x128xf32, #tpu.memory_space<vmem>>) offsets(%arg10 : memref<128xi32, #tpu.memory_space<vmem>>) semaphore(%arg18 : memref<!tpu.dma_semaphore, #tpu.memory_space<semaphore_mem>>)
      %dma_wait3A_84 = arith.constant 0 : i32
      %dma_wait3A_85 = arith.constant 0 : i32
      %dma_wait3A_86 = tpu.memref_slice %arg2[%dma_wait3A_84, %dma_wait3A_85] : memref<50000x128xf32, #tpu.memory_space<hbm>> -> memref<50000x128xf32, #tpu.memory_space<hbm>>
      tpu.wait_indirect_dma semaphore(%arg16 : memref<!tpu.dma_semaphore, #tpu.memory_space<semaphore_mem>>) src(%dma_wait3A_86 : memref<50000x128xf32, #tpu.memory_space<hbm>>) dst(%arg12 : memref<128x128xf32, #tpu.memory_space<vmem>>)
      "tpu.region"() ({
        %run_scoped3A = tpu.sem_alloc : memref<!tpu.dma_semaphore, #tpu.memory_space<semaphore_mem>>
        %dma_start3A_93 = arith.constant 0 : i32
        %dma_start3A_94 = arith.constant 0 : i32
        %dma_start3A_95 = tpu.memref_slice %arg15[%dma_start3A_93, %dma_start3A_94] : memref<10000x128xf32, #tpu.memory_space<vmem_shared>> -> memref<10000x128xf32, #tpu.memory_space<vmem_shared>>
        tpu.enqueue_indirect_dma source(%arg12 : memref<128x128xf32, #tpu.memory_space<vmem>>) target(%dma_start3A_95 : memref<10000x128xf32, #tpu.memory_space<vmem_shared>>) offsets(%arg7 : memref<128xi32, #tpu.memory_space<vmem>>) semaphore(%run_scoped3A : memref<!tpu.dma_semaphore, #tpu.memory_space<semaphore_mem>>) {add = true}
        %dma_wait3A_96 = arith.constant 0 : i32
        %dma_wait3A_97 = arith.constant 0 : i32
        %dma_wait3A_98 = tpu.memref_slice %arg15[%dma_wait3A_96, %dma_wait3A_97] : memref<10000x128xf32, #tpu.memory_space<vmem_shared>> -> memref<10000x128xf32, #tpu.memory_space<vmem_shared>>
        tpu.wait_indirect_dma semaphore(%run_scoped3A : memref<!tpu.dma_semaphore, #tpu.memory_space<semaphore_mem>>) src(%arg12 : memref<128x128xf32, #tpu.memory_space<vmem>>) dst(%dma_wait3A_98 : memref<10000x128xf32, #tpu.memory_space<vmem_shared>>)
        tpu.yield
      }) : () -> ()
      %dma_wait3A_87 = arith.constant 0 : i32
      %dma_wait3A_88 = arith.constant 0 : i32
      %dma_wait3A_89 = tpu.memref_slice %arg2[%dma_wait3A_87, %dma_wait3A_88] : memref<50000x128xf32, #tpu.memory_space<hbm>> -> memref<50000x128xf32, #tpu.memory_space<hbm>>
      tpu.wait_indirect_dma semaphore(%arg17 : memref<!tpu.dma_semaphore, #tpu.memory_space<semaphore_mem>>) src(%dma_wait3A_89 : memref<50000x128xf32, #tpu.memory_space<hbm>>) dst(%arg13 : memref<128x128xf32, #tpu.memory_space<vmem>>)
      "tpu.region"() ({
        %run_scoped3A = tpu.sem_alloc : memref<!tpu.dma_semaphore, #tpu.memory_space<semaphore_mem>>
        %dma_start3A_93 = arith.constant 0 : i32
        %dma_start3A_94 = arith.constant 0 : i32
        %dma_start3A_95 = tpu.memref_slice %arg15[%dma_start3A_93, %dma_start3A_94] : memref<10000x128xf32, #tpu.memory_space<vmem_shared>> -> memref<10000x128xf32, #tpu.memory_space<vmem_shared>>
        tpu.enqueue_indirect_dma source(%arg13 : memref<128x128xf32, #tpu.memory_space<vmem>>) target(%dma_start3A_95 : memref<10000x128xf32, #tpu.memory_space<vmem_shared>>) offsets(%arg9 : memref<128xi32, #tpu.memory_space<vmem>>) semaphore(%run_scoped3A : memref<!tpu.dma_semaphore, #tpu.memory_space<semaphore_mem>>) {add = true}
        %dma_wait3A_96 = arith.constant 0 : i32
        %dma_wait3A_97 = arith.constant 0 : i32
        %dma_wait3A_98 = tpu.memref_slice %arg15[%dma_wait3A_96, %dma_wait3A_97] : memref<10000x128xf32, #tpu.memory_space<vmem_shared>> -> memref<10000x128xf32, #tpu.memory_space<vmem_shared>>
        tpu.wait_indirect_dma semaphore(%run_scoped3A : memref<!tpu.dma_semaphore, #tpu.memory_space<semaphore_mem>>) src(%arg13 : memref<128x128xf32, #tpu.memory_space<vmem>>) dst(%dma_wait3A_98 : memref<10000x128xf32, #tpu.memory_space<vmem_shared>>)
        tpu.yield
      }) : () -> ()
      %dma_wait3A_90 = arith.constant 0 : i32
      %dma_wait3A_91 = arith.constant 0 : i32
      %dma_wait3A_92 = tpu.memref_slice %arg2[%dma_wait3A_90, %dma_wait3A_91] : memref<50000x128xf32, #tpu.memory_space<hbm>> -> memref<50000x128xf32, #tpu.memory_space<hbm>>
      tpu.wait_indirect_dma semaphore(%arg18 : memref<!tpu.dma_semaphore, #tpu.memory_space<semaphore_mem>>) src(%dma_wait3A_92 : memref<50000x128xf32, #tpu.memory_space<hbm>>) dst(%arg14 : memref<128x128xf32, #tpu.memory_space<vmem>>)
      "tpu.region"() ({
        %run_scoped3A = tpu.sem_alloc : memref<!tpu.dma_semaphore, #tpu.memory_space<semaphore_mem>>
        %dma_start3A_93 = arith.constant 0 : i32
        %dma_start3A_94 = arith.constant 0 : i32
        %dma_start3A_95 = tpu.memref_slice %arg15[%dma_start3A_93, %dma_start3A_94] : memref<10000x128xf32, #tpu.memory_space<vmem_shared>> -> memref<10000x128xf32, #tpu.memory_space<vmem_shared>>
        tpu.enqueue_indirect_dma source(%arg14 : memref<128x128xf32, #tpu.memory_space<vmem>>) target(%dma_start3A_95 : memref<10000x128xf32, #tpu.memory_space<vmem_shared>>) offsets(%arg11 : memref<128xi32, #tpu.memory_space<vmem>>) semaphore(%run_scoped3A : memref<!tpu.dma_semaphore, #tpu.memory_space<semaphore_mem>>) {add = true}
        %dma_wait3A_96 = arith.constant 0 : i32
        %dma_wait3A_97 = arith.constant 0 : i32
        %dma_wait3A_98 = tpu.memref_slice %arg15[%dma_wait3A_96, %dma_wait3A_97] : memref<10000x128xf32, #tpu.memory_space<vmem_shared>> -> memref<10000x128xf32, #tpu.memory_space<vmem_shared>>
        tpu.wait_indirect_dma semaphore(%run_scoped3A : memref<!tpu.dma_semaphore, #tpu.memory_space<semaphore_mem>>) src(%arg14 : memref<128x128xf32, #tpu.memory_space<vmem>>) dst(%dma_wait3A_98 : memref<10000x128xf32, #tpu.memory_space<vmem_shared>>)
        tpu.yield
      }) : () -> ()
    }
    %scan3A_32 = arith.constant 26 : i32
    %lt3A = arith.constant 4 : i32
    %lt3A_33 = arith.cmpi slt, %add3A, %lt3A : i32
    %convert_element_type3A_34 = arith.extui %lt3A_33 : i1 to i32
    %cond3A_35 = arith.constant 0 : i32
    %cond3A_36 = arith.cmpi ne, %convert_element_type3A_34, %cond3A_35 : i32
    scf.if %cond3A_36 {
      %add3A_43 = arith.constant 9984 : i32
      %add3A_44 = arith.addi %mul3A_26, %add3A_43 : i32
      "tpu.region"() ({
        %run_scoped3A = tpu.sem_alloc : memref<!tpu.dma_semaphore, #tpu.memory_space<semaphore_mem>>
        %dma_start3A_49 = tpu.memref_slice %arg3[%add3A_44] : memref<320000xi32, #tpu.memory_space<hbm>> -> memref<128xi32, #tpu.memory_space<hbm>>
        %dma_start3A_50 = tpu.memref_slice %arg3[%add3A_44] : memref<320000xi32, #tpu.memory_space<hbm>> -> memref<128xi32, #tpu.memory_space<hbm>>
        tpu.enqueue_dma source(%dma_start3A_50 : memref<128xi32, #tpu.memory_space<hbm>>) target(%arg6 : memref<128xi32, #tpu.memory_space<vmem>>) target_semaphore(%run_scoped3A : memref<!tpu.dma_semaphore, #tpu.memory_space<semaphore_mem>>)
        %dma_wait3A_51 = tpu.memref_slice %arg3[%add3A_44] : memref<320000xi32, #tpu.memory_space<hbm>> -> memref<128xi32, #tpu.memory_space<hbm>>
        %dma_wait3A_52 = tpu.memref_slice %arg3[%add3A_44] : memref<320000xi32, #tpu.memory_space<hbm>> -> memref<128xi32, #tpu.memory_space<hbm>>
        tpu.wait_dma2 semaphore(%run_scoped3A : memref<!tpu.dma_semaphore, #tpu.memory_space<semaphore_mem>>) src(%dma_wait3A_52 : memref<128xi32, #tpu.memory_space<hbm>>) dst(%arg6 : memref<128xi32, #tpu.memory_space<vmem>>)
        tpu.yield
      }) : () -> ()
      "tpu.region"() ({
        %run_scoped3A = tpu.sem_alloc : memref<!tpu.dma_semaphore, #tpu.memory_space<semaphore_mem>>
        %dma_start3A_49 = tpu.memref_slice %arg4[%add3A_44] : memref<320000xi32, #tpu.memory_space<hbm>> -> memref<128xi32, #tpu.memory_space<hbm>>
        %dma_start3A_50 = tpu.memref_slice %arg4[%add3A_44] : memref<320000xi32, #tpu.memory_space<hbm>> -> memref<128xi32, #tpu.memory_space<hbm>>
        tpu.enqueue_dma source(%dma_start3A_50 : memref<128xi32, #tpu.memory_space<hbm>>) target(%arg7 : memref<128xi32, #tpu.memory_space<vmem>>) target_semaphore(%run_scoped3A : memref<!tpu.dma_semaphore, #tpu.memory_space<semaphore_mem>>)
        %dma_wait3A_51 = tpu.memref_slice %arg4[%add3A_44] : memref<320000xi32, #tpu.memory_space<hbm>> -> memref<128xi32, #tpu.memory_space<hbm>>
        %dma_wait3A_52 = tpu.memref_slice %arg4[%add3A_44] : memref<320000xi32, #tpu.memory_space<hbm>> -> memref<128xi32, #tpu.memory_space<hbm>>
        tpu.wait_dma2 semaphore(%run_scoped3A : memref<!tpu.dma_semaphore, #tpu.memory_space<semaphore_mem>>) src(%dma_wait3A_52 : memref<128xi32, #tpu.memory_space<hbm>>) dst(%arg7 : memref<128xi32, #tpu.memory_space<vmem>>)
        tpu.yield
      }) : () -> ()
      %dma_start3A = arith.constant 0 : i32
      %dma_start3A_45 = arith.constant 0 : i32
      %dma_start3A_46 = tpu.memref_slice %arg2[%dma_start3A, %dma_start3A_45] : memref<50000x128xf32, #tpu.memory_space<hbm>> -> memref<50000x128xf32, #tpu.memory_space<hbm>>
      tpu.enqueue_indirect_dma source(%dma_start3A_46 : memref<50000x128xf32, #tpu.memory_space<hbm>>) target(%arg12 : memref<128x128xf32, #tpu.memory_space<vmem>>) offsets(%arg6 : memref<128xi32, #tpu.memory_space<vmem>>) semaphore(%arg16 : memref<!tpu.dma_semaphore, #tpu.memory_space<semaphore_mem>>)
      %dma_wait3A = arith.constant 0 : i32
      %dma_wait3A_47 = arith.constant 0 : i32
      %dma_wait3A_48 = tpu.memref_slice %arg2[%dma_wait3A, %dma_wait3A_47] : memref<50000x128xf32, #tpu.memory_space<hbm>> -> memref<50000x128xf32, #tpu.memory_space<hbm>>
      tpu.wait_indirect_dma semaphore(%arg16 : memref<!tpu.dma_semaphore, #tpu.memory_space<semaphore_mem>>) src(%dma_wait3A_48 : memref<50000x128xf32, #tpu.memory_space<hbm>>) dst(%arg12 : memref<128x128xf32, #tpu.memory_space<vmem>>)
      "tpu.region"() ({
        %run_scoped3A = tpu.sem_alloc : memref<!tpu.dma_semaphore, #tpu.memory_space<semaphore_mem>>
        %dma_start3A_49 = arith.constant 0 : i32
        %dma_start3A_50 = arith.constant 0 : i32
        %dma_start3A_51 = tpu.memref_slice %arg15[%dma_start3A_49, %dma_start3A_50] : memref<10000x128xf32, #tpu.memory_space<vmem_shared>> -> memref<10000x128xf32, #tpu.memory_space<vmem_shared>>
        tpu.enqueue_indirect_dma source(%arg12 : memref<128x128xf32, #tpu.memory_space<vmem>>) target(%dma_start3A_51 : memref<10000x128xf32, #tpu.memory_space<vmem_shared>>) offsets(%arg7 : memref<128xi32, #tpu.memory_space<vmem>>) semaphore(%run_scoped3A : memref<!tpu.dma_semaphore, #tpu.memory_space<semaphore_mem>>) {add = true}
        %dma_wait3A_52 = arith.constant 0 : i32
        %dma_wait3A_53 = arith.constant 0 : i32
        %dma_wait3A_54 = tpu.memref_slice %arg15[%dma_wait3A_52, %dma_wait3A_53] : memref<10000x128xf32, #tpu.memory_space<vmem_shared>> -> memref<10000x128xf32, #tpu.memory_space<vmem_shared>>
        tpu.wait_indirect_dma semaphore(%run_scoped3A : memref<!tpu.dma_semaphore, #tpu.memory_space<semaphore_mem>>) src(%arg12 : memref<128x128xf32, #tpu.memory_space<vmem>>) dst(%dma_wait3A_54 : memref<10000x128xf32, #tpu.memory_space<vmem_shared>>)
        tpu.yield
      }) : () -> ()
    } else {
    }
    %barrier3A_37 = arith.constant 0 : index
    tpu.barrier barrier_id(%barrier3A_37)
    "tpu.region"() ({
      %run_scoped3A = tpu.sem_alloc : memref<!tpu.dma_semaphore, #tpu.memory_space<semaphore_mem>>
      %dma_start3A = arith.constant 0 : i32
      %dma_start3A_43 = tpu.memref_slice %arg5[%arg0, %mul3A_8, %dma_start3A] : memref<2x10000x128xf32, #tpu.memory_space<hbm>> -> memref<1x624x128xf32, #tpu.memory_space<hbm>>
      %dma_start3A_44 = tpu.memref_squeeze %dma_start3A_43 : memref<1x624x128xf32, #tpu.memory_space<hbm>> -> memref<624x128xf32, #tpu.memory_space<hbm>>
      %dma_start3A_45 = arith.constant 0 : i32
      %dma_start3A_46 = tpu.memref_slice %arg15[%mul3A_8, %dma_start3A_45] : memref<10000x128xf32, #tpu.memory_space<vmem_shared>> -> memref<624x128xf32, #tpu.memory_space<vmem_shared>>
      tpu.enqueue_dma source(%dma_start3A_46 : memref<624x128xf32, #tpu.memory_space<vmem_shared>>) target(%dma_start3A_44 : memref<624x128xf32, #tpu.memory_space<hbm>>) target_semaphore(%run_scoped3A : memref<!tpu.dma_semaphore, #tpu.memory_space<semaphore_mem>>)
      %dma_wait3A = arith.constant 0 : i32
      %dma_wait3A_47 = tpu.memref_slice %arg5[%arg0, %mul3A_8, %dma_wait3A] : memref<2x10000x128xf32, #tpu.memory_space<hbm>> -> memref<1x624x128xf32, #tpu.memory_space<hbm>>
      %dma_wait3A_48 = tpu.memref_squeeze %dma_wait3A_47 : memref<1x624x128xf32, #tpu.memory_space<hbm>> -> memref<624x128xf32, #tpu.memory_space<hbm>>
      %dma_wait3A_49 = arith.constant 0 : i32
      %dma_wait3A_50 = tpu.memref_slice %arg15[%mul3A_8, %dma_wait3A_49] : memref<10000x128xf32, #tpu.memory_space<vmem_shared>> -> memref<624x128xf32, #tpu.memory_space<vmem_shared>>
      tpu.wait_dma2 semaphore(%run_scoped3A : memref<!tpu.dma_semaphore, #tpu.memory_space<semaphore_mem>>) src(%dma_wait3A_50 : memref<624x128xf32, #tpu.memory_space<vmem_shared>>) dst(%dma_wait3A_48 : memref<624x128xf32, #tpu.memory_space<hbm>>)
      tpu.yield
    }) : () -> ()
    %eq3A_38 = arith.constant 0 : i32
    %eq3A_39 = arith.cmpi eq, %arg1, %eq3A_38 : i32
    %convert_element_type3A_40 = arith.extui %eq3A_39 : i1 to i32
    %cond3A_41 = arith.constant 0 : i32
    %cond3A_42 = arith.cmpi ne, %convert_element_type3A_40, %cond3A_41 : i32
    scf.if %cond3A_42 {
      "tpu.region"() ({
        %run_scoped3A = tpu.sem_alloc : memref<!tpu.dma_semaphore, #tpu.memory_space<semaphore_mem>>
        %dma_start3A = arith.constant 9984 : i32
        %dma_start3A_43 = arith.constant 0 : i32
        %dma_start3A_44 = tpu.memref_slice %arg5[%arg0, %dma_start3A, %dma_start3A_43] : memref<2x10000x128xf32, #tpu.memory_space<hbm>> -> memref<1x16x128xf32, #tpu.memory_space<hbm>>
        %dma_start3A_45 = tpu.memref_squeeze %dma_start3A_44 : memref<1x16x128xf32, #tpu.memory_space<hbm>> -> memref<16x128xf32, #tpu.memory_space<hbm>>
        %dma_start3A_46 = arith.constant 9984 : i32
        %dma_start3A_47 = arith.constant 0 : i32
        %dma_start3A_48 = tpu.memref_slice %arg15[%dma_start3A_46, %dma_start3A_47] : memref<10000x128xf32, #tpu.memory_space<vmem_shared>> -> memref<16x128xf32, #tpu.memory_space<vmem_shared>>
        tpu.enqueue_dma source(%dma_start3A_48 : memref<16x128xf32, #tpu.memory_space<vmem_shared>>) target(%dma_start3A_45 : memref<16x128xf32, #tpu.memory_space<hbm>>) target_semaphore(%run_scoped3A : memref<!tpu.dma_semaphore, #tpu.memory_space<semaphore_mem>>)
        %dma_wait3A = arith.constant 9984 : i32
        %dma_wait3A_49 = arith.constant 0 : i32
        %dma_wait3A_50 = tpu.memref_slice %arg5[%arg0, %dma_wait3A, %dma_wait3A_49] : memref<2x10000x128xf32, #tpu.memory_space<hbm>> -> memref<1x16x128xf32, #tpu.memory_space<hbm>>
        %dma_wait3A_51 = tpu.memref_squeeze %dma_wait3A_50 : memref<1x16x128xf32, #tpu.memory_space<hbm>> -> memref<16x128xf32, #tpu.memory_space<hbm>>
        %dma_wait3A_52 = arith.constant 9984 : i32
        %dma_wait3A_53 = arith.constant 0 : i32
        %dma_wait3A_54 = tpu.memref_slice %arg15[%dma_wait3A_52, %dma_wait3A_53] : memref<10000x128xf32, #tpu.memory_space<vmem_shared>> -> memref<16x128xf32, #tpu.memory_space<vmem_shared>>
        tpu.wait_dma2 semaphore(%run_scoped3A : memref<!tpu.dma_semaphore, #tpu.memory_space<semaphore_mem>>) src(%dma_wait3A_54 : memref<16x128xf32, #tpu.memory_space<vmem_shared>>) dst(%dma_wait3A_51 : memref<16x128xf32, #tpu.memory_space<hbm>>)
        tpu.yield
      }) : () -> ()
    } else {
    }
    return
  }
}

module attributes {stable_mosaic.version = 14 : i64} {
  func.func @_gidx_body(%arg0: memref<2500x128xi32, #tpu.memory_space<vmem>>, %arg1: memref<2500x128xi32, #tpu.memory_space<vmem>>, %arg2: memref<2500x128xi32, #tpu.memory_space<vmem>>) attributes {dimension_semantics = [], scalar_prefetch = 0 : i64, scratch_operands = 0 : i64, tpu.core_type = #tpu.core_type<tc>} {
    %get3A = arith.constant 0 : index
    %get3A_0 = arith.constant 0 : index
    %get3A_1 = vector.load %arg1[%get3A, %get3A_0] : memref<2500x128xi32, #tpu.memory_space<vmem>>, vector<2500x128xi32>
    %mul3A = arith.constant 10000 : i32
    %mul3A_2 = vector.broadcast %mul3A : i32 to vector<2500x128xi32>
    %mul3A_3 = arith.muli %get3A_1, %mul3A_2 : vector<2500x128xi32>
    %get3A_4 = arith.constant 0 : index
    %get3A_5 = arith.constant 0 : index
    %get3A_6 = vector.load %arg0[%get3A_4, %get3A_5] : memref<2500x128xi32, #tpu.memory_space<vmem>>, vector<2500x128xi32>
    %add3A = arith.addi %mul3A_3, %get3A_6 : vector<2500x128xi32>
    %swap3A = arith.constant 0 : index
    %swap3A_7 = arith.constant 0 : index
    %swap3A_8 = vector.load %arg2[%swap3A, %swap3A_7] : memref<2500x128xi32, #tpu.memory_space<vmem>>, vector<2500x128xi32>
    tpu.vector_store %arg2[%swap3A, %swap3A_7], %add3A {strides = array<i32>} : memref<2500x128xi32, #tpu.memory_space<vmem>>, vector<2500x128xi32>,
    return
  }
}

module attributes {stable_mosaic.version = 14 : i64} {
  func.func @_mlp_scale_body(%arg0: i32, %arg1: memref<400x128xf32, #tpu.memory_space<vmem>>, %arg2: memref<128x128xf32, #tpu.memory_space<vmem>>, %arg3: memref<1x128xf32, #tpu.memory_space<vmem>>, %arg4: memref<1x5xf32, #tpu.memory_space<vmem>>, %arg5: memref<400x128xf32, #tpu.memory_space<vmem>>, %arg6: memref<5x400x128xf32, #tpu.memory_space<vmem>>) attributes {dimension_semantics = [#tpu.dimension_semantics<arbitrary>], iteration_bounds = array<i64: 25>, scalar_prefetch = 0 : i64, scratch_operands = 0 : i64, tpu.core_type = #tpu.core_type<tc>, window_params = [{transform_indices = @transform_0, window_bounds = array<i64: 400, 128>}, {pipeline_mode = #tpu.pipeline_mode<synchronous>, transform_indices = @transform_1, window_bounds = array<i64: 128, 128>}, {pipeline_mode = #tpu.pipeline_mode<synchronous>, transform_indices = @transform_2, window_bounds = array<i64: 1, 128>}, {pipeline_mode = #tpu.pipeline_mode<synchronous>, transform_indices = @transform_3, window_bounds = array<i64: 1, 5>}, {transform_indices = @transform_4, window_bounds = array<i64: 400, 128>}, {transform_indices = @transform_5, window_bounds = array<i64: 5, 400, 128>}]} {
    %get3A = arith.constant 0 : index
    %get3A_0 = arith.constant 0 : index
    %get3A_1 = vector.load %arg1[%get3A, %get3A_0] : memref<400x128xf32, #tpu.memory_space<vmem>>, vector<400x128xf32>
    %get3A_2 = arith.constant 0 : index
    %get3A_3 = arith.constant 0 : index
    %get3A_4 = vector.load %arg2[%get3A_2, %get3A_3] : memref<128x128xf32, #tpu.memory_space<vmem>>, vector<128x128xf32>
    %dot_general3A = arith.constant dense<0.000000e+00> : vector<400x128xf32>
    %dot_general3A_5 = tpu.matmul %get3A_1, %get3A_4, %dot_general3A {dimension_numbers = #tpu.dot_dimension_numbers<[1], [0], [0], [1], [0, 0, 1, 1], [], []>, transpose_lhs_hint = false} : vector<400x128xf32>, vector<128x128xf32>, vector<400x128xf32> -> vector<400x128xf32>
    %get3A_6 = arith.constant 0 : index
    %get3A_7 = arith.constant 0 : index
    %get3A_8 = vector.load %arg3[%get3A_6, %get3A_7] : memref<1x128xf32, #tpu.memory_space<vmem>>, vector<1x128xf32>
    %add3A = vector.broadcast %get3A_8 : vector<1x128xf32> to vector<400x128xf32>
    %add3A_9 = arith.addf %dot_general3A_5, %add3A : vector<400x128xf32>
    %max3A = arith.constant 0.000000e+00 : f32
    %max3A_10 = vector.broadcast %max3A : f32 to vector<400x128xf32>
    %max3A_11 = arith.maximumf %add3A_9, %max3A_10 : vector<400x128xf32>
    %swap3A = arith.constant 0 : index
    %swap3A_12 = arith.constant 0 : index
    %swap3A_13 = vector.load %arg5[%swap3A, %swap3A_12] : memref<400x128xf32, #tpu.memory_space<vmem>>, vector<400x128xf32>
    tpu.vector_store %arg5[%swap3A, %swap3A_12], %max3A_11 {strides = array<i32>} : memref<400x128xf32, #tpu.memory_space<vmem>>, vector<400x128xf32>,
    %get3A_14 = arith.constant 0 : index
    %get3A_15 = arith.constant 0 : index
    %get3A_16 = vector.load %arg4[%get3A_14, %get3A_15] : memref<1x5xf32, #tpu.memory_space<vmem>>, vector<1x5xf32>
    %reduce_max3A = vector.shape_cast %get3A_16 : vector<1x5xf32> to vector<1x1x5xf32>
    %reduce_max3A_17 = arith.constant dense<0xFF800000> : vector<1xf32>
    %reduce_max3A_18 = vector.multi_reduction <maximumf>, %reduce_max3A, %reduce_max3A_17 [1, 2] : vector<1x1x5xf32> to vector<1xf32>
    %reduce_max3A_19 = vector.shape_cast %reduce_max3A_18 : vector<1xf32> to vector<1x1x1xf32>
    %reduce_max3A_20 = vector.extract %reduce_max3A_19[0, 0, 0] : f32 from vector<1x1x1xf32>
    %sub3A = vector.broadcast %reduce_max3A_20 : f32 to vector<1x5xf32>
    %sub3A_21 = arith.subf %get3A_16, %sub3A : vector<1x5xf32>
    %exp3A = math.exp %sub3A_21 : vector<1x5xf32>
    %reduce_sum3A = vector.shape_cast %exp3A : vector<1x5xf32> to vector<1x1x5xf32>
    %reduce_sum3A_22 = arith.constant dense<0.000000e+00> : vector<1xf32>
    %reduce_sum3A_23 = vector.multi_reduction <add>, %reduce_sum3A, %reduce_sum3A_22 [1, 2] : vector<1x1x5xf32> to vector<1xf32>
    %reduce_sum3A_24 = vector.shape_cast %reduce_sum3A_23 : vector<1xf32> to vector<1x1x1xf32>
    %reduce_sum3A_25 = vector.extract %reduce_sum3A_24[0, 0, 0] : f32 from vector<1x1x1xf32>
    %div3A = vector.broadcast %reduce_sum3A_25 : f32 to vector<1x5xf32>
    %div3A_26 = arith.divf %exp3A, %div3A : vector<1x5xf32>
    %slice3A = vector.extract_strided_slice %div3A_26 {offsets = [0, 0], sizes = [1, 1], strides = [1, 1]} : vector<1x5xf32> to vector<1x1xf32>
    %squeeze3A = vector.extract %slice3A[0, 0] : f32 from vector<1x1xf32>
    %mul3A = vector.broadcast %squeeze3A : f32 to vector<400x128xf32>
    %mul3A_27 = arith.mulf %max3A_11, %mul3A : vector<400x128xf32>
    %swap3A_28 = arith.constant 0 : index
    %swap3A_29 = arith.constant 0 : index
    %swap3A_30 = arith.constant 0 : index
    %swap3A_31 = vector.load %arg6[%swap3A_28, %swap3A_29, %swap3A_30] : memref<5x400x128xf32, #tpu.memory_space<vmem>>, vector<1x400x128xf32>
    %swap3A_32 = vector.shape_cast %swap3A_31 : vector<1x400x128xf32> to vector<400x128xf32>
    %swap3A_33 = vector.shape_cast %mul3A_27 : vector<400x128xf32> to vector<1x400x128xf32>
    tpu.vector_store %arg6[%swap3A_28, %swap3A_29, %swap3A_30], %swap3A_33 {strides = array<i32>} : memref<5x400x128xf32, #tpu.memory_space<vmem>>, vector<1x400x128xf32>,
    %slice3A_34 = vector.extract_strided_slice %div3A_26 {offsets = [0, 1], sizes = [1, 1], strides = [1, 1]} : vector<1x5xf32> to vector<1x1xf32>
    %squeeze3A_35 = vector.extract %slice3A_34[0, 0] : f32 from vector<1x1xf32>
    %mul3A_36 = vector.broadcast %squeeze3A_35 : f32 to vector<400x128xf32>
    %mul3A_37 = arith.mulf %max3A_11, %mul3A_36 : vector<400x128xf32>
    %swap3A_38 = arith.constant 1 : index
    %swap3A_39 = arith.constant 0 : index
    %swap3A_40 = arith.constant 0 : index
    %swap3A_41 = vector.load %arg6[%swap3A_38, %swap3A_39, %swap3A_40] : memref<5x400x128xf32, #tpu.memory_space<vmem>>, vector<1x400x128xf32>
    %swap3A_42 = vector.shape_cast %swap3A_41 : vector<1x400x128xf32> to vector<400x128xf32>
    %swap3A_43 = vector.shape_cast %mul3A_37 : vector<400x128xf32> to vector<1x400x128xf32>
    tpu.vector_store %arg6[%swap3A_38, %swap3A_39, %swap3A_40], %swap3A_43 {strides = array<i32>} : memref<5x400x128xf32, #tpu.memory_space<vmem>>, vector<1x400x128xf32>,
    %slice3A_44 = vector.extract_strided_slice %div3A_26 {offsets = [0, 2], sizes = [1, 1], strides = [1, 1]} : vector<1x5xf32> to vector<1x1xf32>
    %squeeze3A_45 = vector.extract %slice3A_44[0, 0] : f32 from vector<1x1xf32>
    %mul3A_46 = vector.broadcast %squeeze3A_45 : f32 to vector<400x128xf32>
    %mul3A_47 = arith.mulf %max3A_11, %mul3A_46 : vector<400x128xf32>
    %swap3A_48 = arith.constant 2 : index
    %swap3A_49 = arith.constant 0 : index
    %swap3A_50 = arith.constant 0 : index
    %swap3A_51 = vector.load %arg6[%swap3A_48, %swap3A_49, %swap3A_50] : memref<5x400x128xf32, #tpu.memory_space<vmem>>, vector<1x400x128xf32>
    %swap3A_52 = vector.shape_cast %swap3A_51 : vector<1x400x128xf32> to vector<400x128xf32>
    %swap3A_53 = vector.shape_cast %mul3A_47 : vector<400x128xf32> to vector<1x400x128xf32>
    tpu.vector_store %arg6[%swap3A_48, %swap3A_49, %swap3A_50], %swap3A_53 {strides = array<i32>} : memref<5x400x128xf32, #tpu.memory_space<vmem>>, vector<1x400x128xf32>,
    %slice3A_54 = vector.extract_strided_slice %div3A_26 {offsets = [0, 3], sizes = [1, 1], strides = [1, 1]} : vector<1x5xf32> to vector<1x1xf32>
    %squeeze3A_55 = vector.extract %slice3A_54[0, 0] : f32 from vector<1x1xf32>
    %mul3A_56 = vector.broadcast %squeeze3A_55 : f32 to vector<400x128xf32>
    %mul3A_57 = arith.mulf %max3A_11, %mul3A_56 : vector<400x128xf32>
    %swap3A_58 = arith.constant 3 : index
    %swap3A_59 = arith.constant 0 : index
    %swap3A_60 = arith.constant 0 : index
    %swap3A_61 = vector.load %arg6[%swap3A_58, %swap3A_59, %swap3A_60] : memref<5x400x128xf32, #tpu.memory_space<vmem>>, vector<1x400x128xf32>
    %swap3A_62 = vector.shape_cast %swap3A_61 : vector<1x400x128xf32> to vector<400x128xf32>
    %swap3A_63 = vector.shape_cast %mul3A_57 : vector<400x128xf32> to vector<1x400x128xf32>
    tpu.vector_store %arg6[%swap3A_58, %swap3A_59, %swap3A_60], %swap3A_63 {strides = array<i32>} : memref<5x400x128xf32, #tpu.memory_space<vmem>>, vector<1x400x128xf32>,
    %slice3A_64 = vector.extract_strided_slice %div3A_26 {offsets = [0, 4], sizes = [1, 1], strides = [1, 1]} : vector<1x5xf32> to vector<1x1xf32>
    %squeeze3A_65 = vector.extract %slice3A_64[0, 0] : f32 from vector<1x1xf32>
    %mul3A_66 = vector.broadcast %squeeze3A_65 : f32 to vector<400x128xf32>
    %mul3A_67 = arith.mulf %max3A_11, %mul3A_66 : vector<400x128xf32>
    %swap3A_68 = arith.constant 4 : index
    %swap3A_69 = arith.constant 0 : index
    %swap3A_70 = arith.constant 0 : index
    %swap3A_71 = vector.load %arg6[%swap3A_68, %swap3A_69, %swap3A_70] : memref<5x400x128xf32, #tpu.memory_space<vmem>>, vector<1x400x128xf32>
    %swap3A_72 = vector.shape_cast %swap3A_71 : vector<1x400x128xf32> to vector<400x128xf32>
    %swap3A_73 = vector.shape_cast %mul3A_67 : vector<400x128xf32> to vector<1x400x128xf32>
    tpu.vector_store %arg6[%swap3A_68, %swap3A_69, %swap3A_70], %swap3A_73 {strides = array<i32>} : memref<5x400x128xf32, #tpu.memory_space<vmem>>, vector<1x400x128xf32>,
    return
  }
  func.func @transform_0(%arg0: i32) -> (i32, i32) {
    %c0_i32 = arith.constant 0 : i32
    %c0_i32_0 = arith.constant 0 : i32
    return %arg0, %c0_i32 : i32, i32
  }
  func.func @transform_1(%arg0: i32) -> (i32, i32) {
    %c0_i32 = arith.constant 0 : i32
    %c0_i32_0 = arith.constant 0 : i32
    %c0_i32_1 = arith.constant 0 : i32
    return %c0_i32, %c0_i32_0 : i32, i32
  }
  func.func @transform_2(%arg0: i32) -> (i32, i32) {
    %c0_i32 = arith.constant 0 : i32
    %c0_i32_0 = arith.constant 0 : i32
    %c0_i32_1 = arith.constant 0 : i32
    return %c0_i32, %c0_i32_0 : i32, i32
  }
  func.func @transform_3(%arg0: i32) -> (i32, i32) {
    %c0_i32 = arith.constant 0 : i32
    %c0_i32_0 = arith.constant 0 : i32
    %c0_i32_1 = arith.constant 0 : i32
    return %c0_i32, %c0_i32_0 : i32, i32
  }
  func.func @transform_4(%arg0: i32) -> (i32, i32) {
    %c0_i32 = arith.constant 0 : i32
    %c0_i32_0 = arith.constant 0 : i32
    return %arg0, %c0_i32 : i32, i32
  }
  func.func @transform_5(%arg0: i32) -> (i32, i32, i32) {
    %c0_i32 = arith.constant 0 : i32
    %c0_i32_0 = arith.constant 0 : i32
    %c0_i32_1 = arith.constant 0 : i32
    return %c0_i32, %arg0, %c0_i32_0 : i32, i32, i32
  }
}

module attributes {stable_mosaic.version = 14 : i64} {
  func.func @_combine_scale_body(%arg0: i32, %arg1: memref<400x128xf32, #tpu.memory_space<vmem>>, %arg2: memref<2x400x128xf32, #tpu.memory_space<vmem>>, %arg3: memref<128x128xf32, #tpu.memory_space<vmem>>, %arg4: memref<1x128xf32, #tpu.memory_space<vmem>>, %arg5: memref<1x5xf32, #tpu.memory_space<vmem>>, %arg6: memref<400x128xf32, #tpu.memory_space<vmem>>, %arg7: memref<5x400x128xf32, #tpu.memory_space<vmem>>) attributes {dimension_semantics = [#tpu.dimension_semantics<arbitrary>], iteration_bounds = array<i64: 25>, scalar_prefetch = 0 : i64, scratch_operands = 0 : i64, tpu.core_type = #tpu.core_type<tc>, window_params = [{transform_indices = @transform_0, window_bounds = array<i64: 400, 128>}, {transform_indices = @transform_1, window_bounds = array<i64: 2, 400, 128>}, {pipeline_mode = #tpu.pipeline_mode<synchronous>, transform_indices = @transform_2, window_bounds = array<i64: 128, 128>}, {pipeline_mode = #tpu.pipeline_mode<synchronous>, transform_indices = @transform_3, window_bounds = array<i64: 1, 128>}, {pipeline_mode = #tpu.pipeline_mode<synchronous>, transform_indices = @transform_4, window_bounds = array<i64: 1, 5>}, {transform_indices = @transform_5, window_bounds = array<i64: 400, 128>}, {transform_indices = @transform_6, window_bounds = array<i64: 5, 400, 128>}]} {
    %get3A = arith.constant 0 : index
    %get3A_0 = arith.constant 0 : index
    %get3A_1 = vector.load %arg1[%get3A, %get3A_0] : memref<400x128xf32, #tpu.memory_space<vmem>>, vector<400x128xf32>
    %get3A_2 = arith.constant 0 : index
    %get3A_3 = arith.constant 0 : index
    %get3A_4 = arith.constant 0 : index
    %get3A_5 = vector.load %arg2[%get3A_2, %get3A_3, %get3A_4] : memref<2x400x128xf32, #tpu.memory_space<vmem>>, vector<1x400x128xf32>
    %get3A_6 = vector.shape_cast %get3A_5 : vector<1x400x128xf32> to vector<400x128xf32>
    %add3A = arith.addf %get3A_1, %get3A_6 : vector<400x128xf32>
    %get3A_7 = arith.constant 1 : index
    %get3A_8 = arith.constant 0 : index
    %get3A_9 = arith.constant 0 : index
    %get3A_10 = vector.load %arg2[%get3A_7, %get3A_8, %get3A_9] : memref<2x400x128xf32, #tpu.memory_space<vmem>>, vector<1x400x128xf32>
    %get3A_11 = vector.shape_cast %get3A_10 : vector<1x400x128xf32> to vector<400x128xf32>
    %add3A_12 = arith.addf %add3A, %get3A_11 : vector<400x128xf32>
    %get3A_13 = arith.constant 0 : index
    %get3A_14 = arith.constant 0 : index
    %get3A_15 = vector.load %arg3[%get3A_13, %get3A_14] : memref<128x128xf32, #tpu.memory_space<vmem>>, vector<128x128xf32>
    %dot_general3A = arith.constant dense<0.000000e+00> : vector<400x128xf32>
    %dot_general3A_16 = tpu.matmul %add3A_12, %get3A_15, %dot_general3A {dimension_numbers = #tpu.dot_dimension_numbers<[1], [0], [0], [1], [0, 0, 1, 1], [], []>, transpose_lhs_hint = false} : vector<400x128xf32>, vector<128x128xf32>, vector<400x128xf32> -> vector<400x128xf32>
    %get3A_17 = arith.constant 0 : index
    %get3A_18 = arith.constant 0 : index
    %get3A_19 = vector.load %arg4[%get3A_17, %get3A_18] : memref<1x128xf32, #tpu.memory_space<vmem>>, vector<1x128xf32>
    %add3A_20 = vector.broadcast %get3A_19 : vector<1x128xf32> to vector<400x128xf32>
    %add3A_21 = arith.addf %dot_general3A_16, %add3A_20 : vector<400x128xf32>
    %max3A = arith.constant 0.000000e+00 : f32
    %max3A_22 = vector.broadcast %max3A : f32 to vector<400x128xf32>
    %max3A_23 = arith.maximumf %add3A_21, %max3A_22 : vector<400x128xf32>
    %swap3A = arith.constant 0 : index
    %swap3A_24 = arith.constant 0 : index
    %swap3A_25 = vector.load %arg6[%swap3A, %swap3A_24] : memref<400x128xf32, #tpu.memory_space<vmem>>, vector<400x128xf32>
    tpu.vector_store %arg6[%swap3A, %swap3A_24], %max3A_23 {strides = array<i32>} : memref<400x128xf32, #tpu.memory_space<vmem>>, vector<400x128xf32>,
    %get3A_26 = arith.constant 0 : index
    %get3A_27 = arith.constant 0 : index
    %get3A_28 = vector.load %arg5[%get3A_26, %get3A_27] : memref<1x5xf32, #tpu.memory_space<vmem>>, vector<1x5xf32>
    %reduce_max3A = vector.shape_cast %get3A_28 : vector<1x5xf32> to vector<1x1x5xf32>
    %reduce_max3A_29 = arith.constant dense<0xFF800000> : vector<1xf32>
    %reduce_max3A_30 = vector.multi_reduction <maximumf>, %reduce_max3A, %reduce_max3A_29 [1, 2] : vector<1x1x5xf32> to vector<1xf32>
    %reduce_max3A_31 = vector.shape_cast %reduce_max3A_30 : vector<1xf32> to vector<1x1x1xf32>
    %reduce_max3A_32 = vector.extract %reduce_max3A_31[0, 0, 0] : f32 from vector<1x1x1xf32>
    %sub3A = vector.broadcast %reduce_max3A_32 : f32 to vector<1x5xf32>
    %sub3A_33 = arith.subf %get3A_28, %sub3A : vector<1x5xf32>
    %exp3A = math.exp %sub3A_33 : vector<1x5xf32>
    %reduce_sum3A = vector.shape_cast %exp3A : vector<1x5xf32> to vector<1x1x5xf32>
    %reduce_sum3A_34 = arith.constant dense<0.000000e+00> : vector<1xf32>
    %reduce_sum3A_35 = vector.multi_reduction <add>, %reduce_sum3A, %reduce_sum3A_34 [1, 2] : vector<1x1x5xf32> to vector<1xf32>
    %reduce_sum3A_36 = vector.shape_cast %reduce_sum3A_35 : vector<1xf32> to vector<1x1x1xf32>
    %reduce_sum3A_37 = vector.extract %reduce_sum3A_36[0, 0, 0] : f32 from vector<1x1x1xf32>
    %div3A = vector.broadcast %reduce_sum3A_37 : f32 to vector<1x5xf32>
    %div3A_38 = arith.divf %exp3A, %div3A : vector<1x5xf32>
    %slice3A = vector.extract_strided_slice %div3A_38 {offsets = [0, 0], sizes = [1, 1], strides = [1, 1]} : vector<1x5xf32> to vector<1x1xf32>
    %squeeze3A = vector.extract %slice3A[0, 0] : f32 from vector<1x1xf32>
    %mul3A = vector.broadcast %squeeze3A : f32 to vector<400x128xf32>
    %mul3A_39 = arith.mulf %max3A_23, %mul3A : vector<400x128xf32>
    %swap3A_40 = arith.constant 0 : index
    %swap3A_41 = arith.constant 0 : index
    %swap3A_42 = arith.constant 0 : index
    %swap3A_43 = vector.load %arg7[%swap3A_40, %swap3A_41, %swap3A_42] : memref<5x400x128xf32, #tpu.memory_space<vmem>>, vector<1x400x128xf32>
    %swap3A_44 = vector.shape_cast %swap3A_43 : vector<1x400x128xf32> to vector<400x128xf32>
    %swap3A_45 = vector.shape_cast %mul3A_39 : vector<400x128xf32> to vector<1x400x128xf32>
    tpu.vector_store %arg7[%swap3A_40, %swap3A_41, %swap3A_42], %swap3A_45 {strides = array<i32>} : memref<5x400x128xf32, #tpu.memory_space<vmem>>, vector<1x400x128xf32>,
    %slice3A_46 = vector.extract_strided_slice %div3A_38 {offsets = [0, 1], sizes = [1, 1], strides = [1, 1]} : vector<1x5xf32> to vector<1x1xf32>
    %squeeze3A_47 = vector.extract %slice3A_46[0, 0] : f32 from vector<1x1xf32>
    %mul3A_48 = vector.broadcast %squeeze3A_47 : f32 to vector<400x128xf32>
    %mul3A_49 = arith.mulf %max3A_23, %mul3A_48 : vector<400x128xf32>
    %swap3A_50 = arith.constant 1 : index
    %swap3A_51 = arith.constant 0 : index
    %swap3A_52 = arith.constant 0 : index
    %swap3A_53 = vector.load %arg7[%swap3A_50, %swap3A_51, %swap3A_52] : memref<5x400x128xf32, #tpu.memory_space<vmem>>, vector<1x400x128xf32>
    %swap3A_54 = vector.shape_cast %swap3A_53 : vector<1x400x128xf32> to vector<400x128xf32>
    %swap3A_55 = vector.shape_cast %mul3A_49 : vector<400x128xf32> to vector<1x400x128xf32>
    tpu.vector_store %arg7[%swap3A_50, %swap3A_51, %swap3A_52], %swap3A_55 {strides = array<i32>} : memref<5x400x128xf32, #tpu.memory_space<vmem>>, vector<1x400x128xf32>,
    %slice3A_56 = vector.extract_strided_slice %div3A_38 {offsets = [0, 2], sizes = [1, 1], strides = [1, 1]} : vector<1x5xf32> to vector<1x1xf32>
    %squeeze3A_57 = vector.extract %slice3A_56[0, 0] : f32 from vector<1x1xf32>
    %mul3A_58 = vector.broadcast %squeeze3A_57 : f32 to vector<400x128xf32>
    %mul3A_59 = arith.mulf %max3A_23, %mul3A_58 : vector<400x128xf32>
    %swap3A_60 = arith.constant 2 : index
    %swap3A_61 = arith.constant 0 : index
    %swap3A_62 = arith.constant 0 : index
    %swap3A_63 = vector.load %arg7[%swap3A_60, %swap3A_61, %swap3A_62] : memref<5x400x128xf32, #tpu.memory_space<vmem>>, vector<1x400x128xf32>
    %swap3A_64 = vector.shape_cast %swap3A_63 : vector<1x400x128xf32> to vector<400x128xf32>
    %swap3A_65 = vector.shape_cast %mul3A_59 : vector<400x128xf32> to vector<1x400x128xf32>
    tpu.vector_store %arg7[%swap3A_60, %swap3A_61, %swap3A_62], %swap3A_65 {strides = array<i32>} : memref<5x400x128xf32, #tpu.memory_space<vmem>>, vector<1x400x128xf32>,
    %slice3A_66 = vector.extract_strided_slice %div3A_38 {offsets = [0, 3], sizes = [1, 1], strides = [1, 1]} : vector<1x5xf32> to vector<1x1xf32>
    %squeeze3A_67 = vector.extract %slice3A_66[0, 0] : f32 from vector<1x1xf32>
    %mul3A_68 = vector.broadcast %squeeze3A_67 : f32 to vector<400x128xf32>
    %mul3A_69 = arith.mulf %max3A_23, %mul3A_68 : vector<400x128xf32>
    %swap3A_70 = arith.constant 3 : index
    %swap3A_71 = arith.constant 0 : index
    %swap3A_72 = arith.constant 0 : index
    %swap3A_73 = vector.load %arg7[%swap3A_70, %swap3A_71, %swap3A_72] : memref<5x400x128xf32, #tpu.memory_space<vmem>>, vector<1x400x128xf32>
    %swap3A_74 = vector.shape_cast %swap3A_73 : vector<1x400x128xf32> to vector<400x128xf32>
    %swap3A_75 = vector.shape_cast %mul3A_69 : vector<400x128xf32> to vector<1x400x128xf32>
    tpu.vector_store %arg7[%swap3A_70, %swap3A_71, %swap3A_72], %swap3A_75 {strides = array<i32>} : memref<5x400x128xf32, #tpu.memory_space<vmem>>, vector<1x400x128xf32>,
    %slice3A_76 = vector.extract_strided_slice %div3A_38 {offsets = [0, 4], sizes = [1, 1], strides = [1, 1]} : vector<1x5xf32> to vector<1x1xf32>
    %squeeze3A_77 = vector.extract %slice3A_76[0, 0] : f32 from vector<1x1xf32>
    %mul3A_78 = vector.broadcast %squeeze3A_77 : f32 to vector<400x128xf32>
    %mul3A_79 = arith.mulf %max3A_23, %mul3A_78 : vector<400x128xf32>
    %swap3A_80 = arith.constant 4 : index
    %swap3A_81 = arith.constant 0 : index
    %swap3A_82 = arith.constant 0 : index
    %swap3A_83 = vector.load %arg7[%swap3A_80, %swap3A_81, %swap3A_82] : memref<5x400x128xf32, #tpu.memory_space<vmem>>, vector<1x400x128xf32>
    %swap3A_84 = vector.shape_cast %swap3A_83 : vector<1x400x128xf32> to vector<400x128xf32>
    %swap3A_85 = vector.shape_cast %mul3A_79 : vector<400x128xf32> to vector<1x400x128xf32>
    tpu.vector_store %arg7[%swap3A_80, %swap3A_81, %swap3A_82], %swap3A_85 {strides = array<i32>} : memref<5x400x128xf32, #tpu.memory_space<vmem>>, vector<1x400x128xf32>,
    return
  }
  func.func @transform_0(%arg0: i32) -> (i32, i32) {
    %c0_i32 = arith.constant 0 : i32
    %c0_i32_0 = arith.constant 0 : i32
    return %arg0, %c0_i32 : i32, i32
  }
  func.func @transform_1(%arg0: i32) -> (i32, i32, i32) {
    %c0_i32 = arith.constant 0 : i32
    %c0_i32_0 = arith.constant 0 : i32
    %c0_i32_1 = arith.constant 0 : i32
    return %c0_i32, %arg0, %c0_i32_0 : i32, i32, i32
  }
  func.func @transform_2(%arg0: i32) -> (i32, i32) {
    %c0_i32 = arith.constant 0 : i32
    %c0_i32_0 = arith.constant 0 : i32
    %c0_i32_1 = arith.constant 0 : i32
    return %c0_i32, %c0_i32_0 : i32, i32
  }
  func.func @transform_3(%arg0: i32) -> (i32, i32) {
    %c0_i32 = arith.constant 0 : i32
    %c0_i32_0 = arith.constant 0 : i32
    %c0_i32_1 = arith.constant 0 : i32
    return %c0_i32, %c0_i32_0 : i32, i32
  }
  func.func @transform_4(%arg0: i32) -> (i32, i32) {
    %c0_i32 = arith.constant 0 : i32
    %c0_i32_0 = arith.constant 0 : i32
    %c0_i32_1 = arith.constant 0 : i32
    return %c0_i32, %c0_i32_0 : i32, i32
  }
  func.func @transform_5(%arg0: i32) -> (i32, i32) {
    %c0_i32 = arith.constant 0 : i32
    %c0_i32_0 = arith.constant 0 : i32
    return %arg0, %c0_i32 : i32, i32
  }
  func.func @transform_6(%arg0: i32) -> (i32, i32, i32) {
    %c0_i32 = arith.constant 0 : i32
    %c0_i32_0 = arith.constant 0 : i32
    %c0_i32_1 = arith.constant 0 : i32
    return %c0_i32, %arg0, %c0_i32_0 : i32, i32, i32
  }
}

module attributes {stable_mosaic.version = 14 : i64} {
  func.func @_combine_head_body(%arg0: i32, %arg1: memref<400x128xf32, #tpu.memory_space<vmem>>, %arg2: memref<2x400x128xf32, #tpu.memory_space<vmem>>, %arg3: memref<128x128xf32, #tpu.memory_space<vmem>>, %arg4: memref<1x128xf32, #tpu.memory_space<vmem>>, %arg5: memref<128x128xf32, #tpu.memory_space<vmem>>, %arg6: memref<1x128xf32, #tpu.memory_space<vmem>>, %arg7: memref<128x64xf32, #tpu.memory_space<vmem>>, %arg8: memref<1x64xf32, #tpu.memory_space<vmem>>, %arg9: memref<400x64xf32, #tpu.memory_space<vmem>>) attributes {dimension_semantics = [#tpu.dimension_semantics<arbitrary>], iteration_bounds = array<i64: 25>, scalar_prefetch = 0 : i64, scratch_operands = 0 : i64, tpu.core_type = #tpu.core_type<tc>, window_params = [{transform_indices = @transform_0, window_bounds = array<i64: 400, 128>}, {transform_indices = @transform_1, window_bounds = array<i64: 2, 400, 128>}, {pipeline_mode = #tpu.pipeline_mode<synchronous>, transform_indices = @transform_2, window_bounds = array<i64: 128, 128>}, {pipeline_mode = #tpu.pipeline_mode<synchronous>, transform_indices = @transform_3, window_bounds = array<i64: 1, 128>}, {pipeline_mode = #tpu.pipeline_mode<synchronous>, transform_indices = @transform_4, window_bounds = array<i64: 128, 128>}, {pipeline_mode = #tpu.pipeline_mode<synchronous>, transform_indices = @transform_5, window_bounds = array<i64: 1, 128>}, {pipeline_mode = #tpu.pipeline_mode<synchronous>, transform_indices = @transform_6, window_bounds = array<i64: 128, 64>}, {pipeline_mode = #tpu.pipeline_mode<synchronous>, transform_indices = @transform_7, window_bounds = array<i64: 1, 64>}, {transform_indices = @transform_8, window_bounds = array<i64: 400, 64>}]} {
    %get3A = arith.constant 0 : index
    %get3A_0 = arith.constant 0 : index
    %get3A_1 = vector.load %arg1[%get3A, %get3A_0] : memref<400x128xf32, #tpu.memory_space<vmem>>, vector<400x128xf32>
    %get3A_2 = arith.constant 0 : index
    %get3A_3 = arith.constant 0 : index
    %get3A_4 = arith.constant 0 : index
    %get3A_5 = vector.load %arg2[%get3A_2, %get3A_3, %get3A_4] : memref<2x400x128xf32, #tpu.memory_space<vmem>>, vector<1x400x128xf32>
    %get3A_6 = vector.shape_cast %get3A_5 : vector<1x400x128xf32> to vector<400x128xf32>
    %add3A = arith.addf %get3A_1, %get3A_6 : vector<400x128xf32>
    %get3A_7 = arith.constant 1 : index
    %get3A_8 = arith.constant 0 : index
    %get3A_9 = arith.constant 0 : index
    %get3A_10 = vector.load %arg2[%get3A_7, %get3A_8, %get3A_9] : memref<2x400x128xf32, #tpu.memory_space<vmem>>, vector<1x400x128xf32>
    %get3A_11 = vector.shape_cast %get3A_10 : vector<1x400x128xf32> to vector<400x128xf32>
    %add3A_12 = arith.addf %add3A, %get3A_11 : vector<400x128xf32>
    %get3A_13 = arith.constant 0 : index
    %get3A_14 = arith.constant 0 : index
    %get3A_15 = vector.load %arg3[%get3A_13, %get3A_14] : memref<128x128xf32, #tpu.memory_space<vmem>>, vector<128x128xf32>
    %dot_general3A = arith.constant dense<0.000000e+00> : vector<400x128xf32>
    %dot_general3A_16 = tpu.matmul %add3A_12, %get3A_15, %dot_general3A {dimension_numbers = #tpu.dot_dimension_numbers<[1], [0], [0], [1], [0, 0, 1, 1], [], []>, transpose_lhs_hint = false} : vector<400x128xf32>, vector<128x128xf32>, vector<400x128xf32> -> vector<400x128xf32>
    %get3A_17 = arith.constant 0 : index
    %get3A_18 = arith.constant 0 : index
    %get3A_19 = vector.load %arg4[%get3A_17, %get3A_18] : memref<1x128xf32, #tpu.memory_space<vmem>>, vector<1x128xf32>
    %add3A_20 = vector.broadcast %get3A_19 : vector<1x128xf32> to vector<400x128xf32>
    %add3A_21 = arith.addf %dot_general3A_16, %add3A_20 : vector<400x128xf32>
    %max3A = arith.constant 0.000000e+00 : f32
    %max3A_22 = vector.broadcast %max3A : f32 to vector<400x128xf32>
    %max3A_23 = arith.maximumf %add3A_21, %max3A_22 : vector<400x128xf32>
    %get3A_24 = arith.constant 0 : index
    %get3A_25 = arith.constant 0 : index
    %get3A_26 = vector.load %arg5[%get3A_24, %get3A_25] : memref<128x128xf32, #tpu.memory_space<vmem>>, vector<128x128xf32>
    %dot_general3A_27 = arith.constant dense<0.000000e+00> : vector<400x128xf32>
    %dot_general3A_28 = tpu.matmul %max3A_23, %get3A_26, %dot_general3A_27 {dimension_numbers = #tpu.dot_dimension_numbers<[1], [0], [0], [1], [0, 0, 1, 1], [], []>, transpose_lhs_hint = false} : vector<400x128xf32>, vector<128x128xf32>, vector<400x128xf32> -> vector<400x128xf32>
    %get3A_29 = arith.constant 0 : index
    %get3A_30 = arith.constant 0 : index
    %get3A_31 = vector.load %arg6[%get3A_29, %get3A_30] : memref<1x128xf32, #tpu.memory_space<vmem>>, vector<1x128xf32>
    %add3A_32 = vector.broadcast %get3A_31 : vector<1x128xf32> to vector<400x128xf32>
    %add3A_33 = arith.addf %dot_general3A_28, %add3A_32 : vector<400x128xf32>
    %max3A_34 = arith.constant 0.000000e+00 : f32
    %max3A_35 = vector.broadcast %max3A_34 : f32 to vector<400x128xf32>
    %max3A_36 = arith.maximumf %add3A_33, %max3A_35 : vector<400x128xf32>
    %get3A_37 = arith.constant 0 : index
    %get3A_38 = arith.constant 0 : index
    %get3A_39 = vector.load %arg7[%get3A_37, %get3A_38] : memref<128x64xf32, #tpu.memory_space<vmem>>, vector<128x64xf32>
    %dot_general3A_40 = arith.constant dense<0.000000e+00> : vector<400x64xf32>
    %dot_general3A_41 = tpu.matmul %max3A_36, %get3A_39, %dot_general3A_40 {dimension_numbers = #tpu.dot_dimension_numbers<[1], [0], [0], [1], [0, 0, 1, 1], [], []>, transpose_lhs_hint = false} : vector<400x128xf32>, vector<128x64xf32>, vector<400x64xf32> -> vector<400x64xf32>
    %get3A_42 = arith.constant 0 : index
    %get3A_43 = arith.constant 0 : index
    %get3A_44 = vector.load %arg8[%get3A_42, %get3A_43] : memref<1x64xf32, #tpu.memory_space<vmem>>, vector<1x64xf32>
    %add3A_45 = vector.broadcast %get3A_44 : vector<1x64xf32> to vector<400x64xf32>
    %add3A_46 = arith.addf %dot_general3A_41, %add3A_45 : vector<400x64xf32>
    %swap3A = arith.constant 0 : index
    %swap3A_47 = arith.constant 0 : index
    %swap3A_48 = vector.load %arg9[%swap3A, %swap3A_47] : memref<400x64xf32, #tpu.memory_space<vmem>>, vector<400x64xf32>
    tpu.vector_store %arg9[%swap3A, %swap3A_47], %add3A_46 {strides = array<i32>} : memref<400x64xf32, #tpu.memory_space<vmem>>, vector<400x64xf32>,
    return
  }
  func.func @transform_0(%arg0: i32) -> (i32, i32) {
    %c0_i32 = arith.constant 0 : i32
    %c0_i32_0 = arith.constant 0 : i32
    return %arg0, %c0_i32 : i32, i32
  }
  func.func @transform_1(%arg0: i32) -> (i32, i32, i32) {
    %c0_i32 = arith.constant 0 : i32
    %c0_i32_0 = arith.constant 0 : i32
    %c0_i32_1 = arith.constant 0 : i32
    return %c0_i32, %arg0, %c0_i32_0 : i32, i32, i32
  }
  func.func @transform_2(%arg0: i32) -> (i32, i32) {
    %c0_i32 = arith.constant 0 : i32
    %c0_i32_0 = arith.constant 0 : i32
    %c0_i32_1 = arith.constant 0 : i32
    return %c0_i32, %c0_i32_0 : i32, i32
  }
  func.func @transform_3(%arg0: i32) -> (i32, i32) {
    %c0_i32 = arith.constant 0 : i32
    %c0_i32_0 = arith.constant 0 : i32
    %c0_i32_1 = arith.constant 0 : i32
    return %c0_i32, %c0_i32_0 : i32, i32
  }
  func.func @transform_4(%arg0: i32) -> (i32, i32) {
    %c0_i32 = arith.constant 0 : i32
    %c0_i32_0 = arith.constant 0 : i32
    %c0_i32_1 = arith.constant 0 : i32
    return %c0_i32, %c0_i32_0 : i32, i32
  }
  func.func @transform_5(%arg0: i32) -> (i32, i32) {
    %c0_i32 = arith.constant 0 : i32
    %c0_i32_0 = arith.constant 0 : i32
    %c0_i32_1 = arith.constant 0 : i32
    return %c0_i32, %c0_i32_0 : i32, i32
  }
  func.func @transform_6(%arg0: i32) -> (i32, i32) {
    %c0_i32 = arith.constant 0 : i32
    %c0_i32_0 = arith.constant 0 : i32
    %c0_i32_1 = arith.constant 0 : i32
    return %c0_i32, %c0_i32_0 : i32, i32
  }
  func.func @transform_7(%arg0: i32) -> (i32, i32) {
    %c0_i32 = arith.constant 0 : i32
    %c0_i32_0 = arith.constant 0 : i32
    %c0_i32_1 = arith.constant 0 : i32
    return %c0_i32, %c0_i32_0 : i32, i32
  }
  func.func @transform_8(%arg0: i32) -> (i32, i32) {
    %c0_i32 = arith.constant 0 : i32
    %c0_i32_0 = arith.constant 0 : i32
    return %arg0, %c0_i32 : i32, i32
  }
}

</mosaic_0001>

<sc_bundles>
// kernel: kernel.11.cloned.1.call-start
scs
__scs_entry_jumppad:
0x0: {  	(pc) =	sbr.rel $0x88, $3  }
0x1: {  	(tag) =	ssettag $0x0;
	lr =	simm.s32 $0x1  }
0x2: {  	[smem:$0x3F92] =	sst lr;
	_ =	strace $0xD0000000  }
0x3: {  	_ = 	snop  }
0x4: {  	_ = 	snop  }
0x5: {  	_ = 	snop  }
0x6: {  	_ = 	snop  }
0x7: {  	_ = 	snop  }
__scs_overlays_trampoline_lowered:
0x8: {  	[smem:$0x3FA1] =	sst s0  }
0x9: {  	[smem:$0x3FA2] =	sst s1  }
0xa: {  	[smem:$0x3FA3] =	sst s2  }
0xb: {  	[smem:$0x3FA4] =	sst s3  }
0xc: {  	[smem:$0x3FA5] =	sst s4  }
0xd: {  	[smem:$0x3FA6] =	sst s5  }
0xe: {  	[smem:$0x3FA7] =	sst s6  }
0xf: {  	[smem:$0x3FA8] =	sst s7  }
0x10: {  	[smem:$0x3FA9] =	sst s8  }
0x11: {  	[smem:$0x3FAA] =	sst s9;
	s0 =	simm.s32 @!p0 $0x0  }
0x12: {  	s1 =	sld [smem:$0x3F90];
	s0 =	simm.s32 @p0 $0x1  }
0x13: {  	[smem:$0x3FAB] =	sst s0;
	s0 =	simm.s32 @!p1 $0x0  }
0x14: {  	s2 =	sld [smem:$0x3F8F];
	s0 =	simm.s32 @p1 $0x1  }
0x15: {  	[smem:$0x3FAC] =	sst s0;
	s0 =	simm.s32 @!p2 $0x0  }
0x16: {  	s3 =	sld [smem:$0x3FDB];
	s0 =	simm.s32 @p2 $0x1  }
0x17: {  	s4 =	simm.s32 $0x1BF5;
	[smem:$0x3FAE] =	sst s0  }
0x18: {  	s0 =	sld [smem:$0x3F91];
	_ =	swait.ge [sflag:s4], $0x0  }
0x19: {  	s7 =	sld [smem:$0x3F92]  }
0x1a: {  	s8 =	sadd.s32 $0xFFFFE003, lr  }
0x1b: {  	s9 =	sadd.s32 $0xFFFFFEF7, lr;
	s5 =	simm.s32 $0xFFFFFFFF;
	p2 =	slt.u32 s8, $0xFFFFF086  }
0x1c: {  	p1 =	slt.u32 s9, $0xF7A;
	s5 =	simm.s32 @!p2 $0x0  }
0x1d: {  	s5 =	simm.s32 @p1 $0x1;
	p0 =	seq.s32 s7, s2  }
0x1e: {  	s7 =	smul.u32 @!p0 $0xF7A, s2;
	p2 =	seq.s32 @!p0 s5, $0x0  }
0x1f: {  	s9 =	smul.u32 $0xF7A, s1;
	s8 =	simm.s32 @!p0 $0x1BF5;
	p2 =	por !p2, p0  }
0x20: {  	[sflag:s8] =	ssyncset.s32 @!p0 $0xFFFFF086;
	s6 =	sadd.s32 @!p0 s3, s7;
	s7 =	simm.s32 @!p0 $0x108  }
0x21: {  	s3 =	sadd.s32 s3, s9;
	s6 =	sadd.s32 @!p0 $0x88, s6;
	s7 =	simm.s32 @p2 $0x1082  }
0x22: {  	[simem:s7], [sflag:s8] =	dma.local @!p0 [hbm:s6], $0xF7A  }
0x23: {  	s9 =	sor.u32 $0xD0000000, s2;
	s6 =	simm.s32 $0x108;
	_ =	swait.ge @!p0 [sflag:s8], $0x0  }
0x24: {  	s3 =	sadd.s32 $0x88, s3;
	s6 =	simm.s32 @!p1 $0x1082;
	[sflag:s4] =	ssyncset.s32 $0xFFFFF086  }
0x25: {  	[simem:s6], [sflag:s4] =	dma.local [hbm:s3], $0xF7A  }
0x26: {  	[smem:$0x3F92] =	sst s1;
	(tag) =	ssettag s2;
	_ =	strace s9  }
0x27: {  	s1 =	sld [smem:$0x3FA2]  }
0x28: {  	s2 =	sld [smem:$0x3FA3]  }
0x29: {  	s4 =	sld [smem:$0x3FA5]  }
0x2a: {  	p0 =	seq.s32 s5, $0x0;
	s5 =	sld [smem:$0x3FA6]  }
0x2b: {  	s6 =	sld [smem:$0x3FA7]  }
0x2c: {  	s7 =	sld [smem:$0x3FA8]  }
0x2d: {  	s3 =	simm.s32 $0x108;
	s8 =	sld [smem:$0x3FA9]  }
0x2e: {  	s3 =	simm.s32 @!p0 $0x1082;
	s9 =	sld [smem:$0x3FAA]  }
0x2f: {  	lr =	sadd.s32 s0, s3;
	s0 =	sld [smem:$0x3FA1]  }
0x30: {  	s3 =	sld [smem:$0x3FA4]  }
0x31: {  	[smem:$0x3FAD] =	sst s10  }
0x32: {  	s10 =	sld [smem:$0x3FAB];
	_ =	sdelay $0x3  }
0x33: {  	p0 =	seq.s32 s10, $0x1;
	s10 =	sld [smem:$0x3FAD];
	_ =	sdelay $0x3  }
0x34: {  	[smem:$0x3FAD] =	sst s10  }
0x35: {  	s10 =	sld [smem:$0x3FAC];
	_ =	sdelay $0x3  }
0x36: {  	p1 =	seq.s32 s10, $0x1;
	s10 =	sld [smem:$0x3FAD];
	_ =	sdelay $0x3  }
0x37: {  	[smem:$0x3FAD] =	sst s10  }
0x38: {  	s10 =	sld [smem:$0x3FAE]  }
0x39: {  	_ = 	snop;
	(pc) =	sbr.ind lr, $3  }
0x3a: {  	_ = 	snop  }
0x3b: {  	_ = 	snop  }
0x3c: {  	p2 =	seq.s32 s10, $0x1;
	s10 =	sld [smem:$0x3FAD]  }
0x3d: {  	_ =	shalt  }
0x3e: {  	_ =	shalt  }
0x3f: {  	_ =	shalt  }
0x40: {  	_ =	shalt  }
0x41: {  	_ =	shalt  }
0x42: {  	_ =	shalt  }
0x43: {  	_ =	shalt  }
0x44: {  	_ =	shalt  }
0x45: {  	_ =	shalt  }
0x46: {  	_ =	shalt  }
0x47: {  	_ =	shalt  }
0x48: {  	_ =	shalt  }
0x49: {  	_ =	shalt  }
0x4a: {  	_ =	shalt  }
0x4b: {  	_ =	shalt  }
0x4c: {  	_ =	shalt  }
0x4d: {  	_ =	shalt  }
0x4e: {  	_ =	shalt  }
0x4f: {  	_ =	shalt  }
0x50: {  	_ =	shalt  }
0x51: {  	_ =	shalt  }
0x52: {  	_ =	shalt  }
0x53: {  	_ =	shalt  }
0x54: {  	_ =	shalt  }
0x55: {  	_ =	shalt  }
0x56: {  	_ =	shalt  }
0x57: {  	_ =	shalt  }
0x58: {  	_ =	shalt  }
0x59: {  	_ =	shalt  }
0x5a: {  	_ =	shalt  }
0x5b: {  	_ =	shalt  }
0x5c: {  	_ =	shalt  }
0x5d: {  	_ =	shalt  }
0x5e: {  	_ =	shalt  }
0x5f: {  	_ =	shalt  }
0x60: {  	_ =	shalt  }
0x61: {  	_ =	shalt  }
0x62: {  	_ =	shalt  }
0x63: {  	_ =	shalt  }
0x64: {  	_ =	shalt  }
0x65: {  	_ =	shalt  }
0x66: {  	_ =	shalt  }
0x67: {  	_ =	shalt  }
0x68: {  	_ =	shalt  }
0x69: {  	_ =	shalt  }
0x6a: {  	_ =	shalt  }
0x6b: {  	_ =	shalt  }
0x6c: {  	_ =	shalt  }
0x6d: {  	_ =	shalt  }
0x6e: {  	_ =	shalt  }
0x6f: {  	_ =	shalt  }
0x70: {  	_ =	shalt  }
0x71: {  	_ =	shalt  }
0x72: {  	_ =	shalt  }
0x73: {  	_ =	shalt  }
0x74: {  	_ =	shalt  }
0x75: {  	_ =	shalt  }
0x76: {  	_ =	shalt  }
0x77: {  	_ =	shalt  }
0x78: {  	_ =	shalt  }
0x79: {  	_ =	shalt  }
0x7a: {  	_ =	shalt  }
0x7b: {  	_ =	shalt  }
0x7c: {  	_ =	shalt  }
0x7d: {  	_ =	shalt  }
0x7e: {  	_ =	shalt  }
0x7f: {  	_ =	shalt  }
0x80: {  	_ =	shalt  }
0x81: {  	_ =	shalt  }
0x82: {  	_ =	shalt  }
0x83: {  	_ =	shalt  }
0x84: {  	_ =	shalt  }
0x85: {  	_ =	shalt  }
0x86: {  	_ =	shalt  }
0x87: {  	_ =	shalt  }
.Lfunc_end0:
.L_simem_size_0:
called_computation.1_lowered:
.L_overlay_start_0:
0x88: {  	s2 =	sld [smem:$0x3FD9]  }
0x89: {  	s3 =	sld [smem:$0x3FFE];
	_ =	sdelay $0x1  }
0x8a: {  	s1 =	srdreg.scid  }
0x8b: {  	s0 =	sand.u32 $0x1, s1  }
0x8c: {  	s17 =	sshll.u32 s0, $0xA;
	s2 =	sadd.s32 s3, s2  }
0x8d: {  	s2 =	sadd.s32 s2, s17  }
0x8e: {  	[smem:$0x3FB9] =	sst s2  }
0x8f: {  	_ = 	snop  }
0x90: {  	s2 =	sld [smem:$0x3FD0];
	(tm) =	ssettm $0x1  }
0x91: {  	s18 =	sld [smem:$0x3FFB];
	_ =	sdelay $0x3  }
0x92: {  	_ =	strace s18  }
0x93: {  	s3 =	sld [smem:$0x3FFC];
	_ =	sdelay $0x3  }
0x94: {  	_ =	strace s3  }
0x95: {  	s3 =	sld [smem:$0x3FFD];
	_ =	sdelay $0x3  }
0x96: {  	_ =	strace s3  }
0x97: {  	_ =	strace $0x8FFFFFFF  }
0x98: {  	s19 =	sld [smem:$0x3FDB];
	_ =	sdelay $0x1  }
0x99: {  	s4 =	simm.s32 $_scs_section_size  }
0x9a: {  	s5 =	simm.s32 $_size__tile_overlayer_lowered;
	s6 =	simm.s32 $_tile_overlayer_lowered  }
0x9b: {  	s22 =	simm.s32 $0x1BFF;
	s21 =	sshll.u32 s6, $0x1;
	s3 =	sadd.s32 s4, s19  }
0x9c: {  	s7 =	simm.s32 $0x0;
	s20 =	sshll.u32 s5, $0x1;
	s5 =	sadd.s32 s21, s3  }
0x9d: {  	[timem:s7], [sflag:s22] =	dma.local [hbm:s5], s20  }
0x9e: {  	_ =	swait.ge [sflag:s22], s20  }
0x9f: {  	s4 =	ssub.s32 $0x0, s20;
	[sflag:s22] =	ssyncset.done $0x0  }
0xa0: {  	[sflag:s22] =	ssyncadd.s32 s4;
	_ =	sdelay $0x1  }
0xa1: {  	s23 =	simm.s32 $0x1B8B  }
0xa2: {  	_ =	swait.ge [sflag:s23], $0x1  }
0xa3: {  	[sflag:s23] =	ssyncset.done $0x0  }
0xa4: {  	s25 =	simm.s32 $0x1B8E;
	s24 =	sld [smem:$0x3FFE];
	[sflag:s23] =	ssyncadd.s32 $0xFFFFFFFF  }
0xa5: {  	s26 =	simm.s32 $execute0_lowered;
	[smem:$0x3FD2] =	sst s25  }
0xa6: {  	s5 =	sshll.u32 s26, $0x1;
	_ =	strace $0x80000049;
	[dreg:$0x1] =	wrdreg $0xFFFFFFFF  }
0xa7: {  	s28 =	simm.s32 $_size_execute0_lowered;
	s3 =	sadd.s32 s3, s5;
	[dreg:$0x0] =	wrdreg $0x0  }
0xa8: {  	s5 =	sshll.u32 s28, $0x1;
	[dreg:$0x2] =	wrdreg s3  }
0xa9: {  	[dreg:$0x3] =	wrdreg s5  }
0xaa: {  	[dreg:$0x4] =	wrdreg $0xC0  }
0xab: {  	_ =	task [dreg:s7], $0x5FFFF  }
0xac: {  	[dreg:$0x1] =	wrdreg $0xFFFFFFFF  }
0xad: {  	[dreg:$0x0] =	wrdreg $0x60  }
0xae: {  	[dreg:$0x2] =	wrdreg s24  }
0xaf: {  	[dreg:$0x3] =	wrdreg s2  }
0xb0: {  	[dreg:$0x4] =	wrdreg $0xC3000  }
0xb1: {  	[dreg:$0x5] =	wrdreg $0x9  }
0xb2: {  	_ =	task.clear_ibuf [dreg:s7], $0x6FFFF;
	_ =	strace $0x90000049  }
0xb3: {  	s29 =	simm.s32 $0x9;
	_ =	strace $0x8000004B  }
0xb4: {  	_ =	swait.ge [sflag:s29], $0x1  }
0xb5: {  	[sflag:s29] =	ssyncadd.s32 $0xFFFFFFFF  }
0xb6: {  	_ =	strace $0x9000004B  }
0xb7: {  	_ =	sfence  }
0xb8: {  	s30 =	sld [smem:$0x0];
	_ =	sdelay $0x2  }
0xb9: {  	s31 =	sshll.u32 s1, $0xD;
	s1 =	sshrl.u32 s1, $0x2  }
0xba: {  	s3 =	sand.u32 $0x4000, s31;
	s1 =	sadd.s32 s1, s30  }
0xbb: {  	s0 =	sor.u32 s3, s0;
	s1 =	sshll.u32 s1, $0x11  }
0xbc: {  	s0 =	sor.u32 s1, s0  }
0xbd: {  	s0 =	sadd.s32 $0x8F2B, s0  }
0xbe: {  	[sflag:s0] =	ssyncadd.remote.s32 $0x1  }
0xbf: {  	_ =	sfence.sel $0xFFFF  }
0xc0: {  	[dreg:$0x0] =	wrdreg $0xFFFFFFFF;
	(pc) =	sbr.abs _section_cstart, $3  }
0xc1: {  	[dreg:$0x1] =	wrdreg $0xFFFFFFFF  }
0xc2: {  	_ =	task.clear_ibuf [dreg:s7], $0x2FFFF;
	_ =	strace $0x9FFFFFFF  }
0xc3: {  	(tm) =	ssettm $0x7FFFFFFF  }
tec
execute0_lowered:
.L_overlay_start_1:
0x0: {  	(tag) =	ssettag $0x1  }
0x1: {  	s0 =	rddreg [dreg:$0x0]  }
0x2: {  	s4 =	rddreg [dreg:$0x1]  }
0x3: {  	s1 =	rddreg [dreg:$0x2]  }
0x4: {  	s2 =	simm.s32 $0x0;
	s5 =	srdreg.scid;
	s19 =	stileid.u32  }
0x5: {  	s28 =	simm.s32 $0x4300;
	s29 =	simm.s32 $0x3;
	s30 =	simm.s32 $0x8300  }
0x6: {  	s31 =	simm.s32 $0x0;
	[smem:$0x7FF] =	sst s2;
	s20 =	smul.u32 $0x4E000, s19  }
0x7: {  	s3 =	sadd.s32 $0xC400, s0;
	s6 =	sadd.s32 $0x2600, s0;
	s16 =	smul.u32 $0x13800, s19  }
0x8: {  	s11 =	sand.u32 $0x1, s5;
	s0 =	sadd.s32 $0xCFA00, s0;
	s18 =	smul.u32 $0x4E, s19  }
0x9: {  	p0 =	sne.s32 s19, $0x0;
	_ =	strace $0x8000004A;
	s14 =	smul.u32 $0x138800, s11  }
0xa: {  	s7 =	ssub.s32 $0x2, s11;
	s8 =	sshll.u32 s11, $0x4;
	s17 =	smul.u32 $0x4E0, s11  }
0xb: {  	s9 =	sshrl.u32 s7, $0x1;
	s25 =	sor.u32 s19, s8;
	s5 =	sshrl.u32 s20, $0x2  }
0xc: {  	s19 =	simm.s32 $0x4;
	s20 =	simm.s32 $0x80;
	s15 =	ssub.s32 s7, s9  }
0xd: {  	s5 =	sadd.s32 s5, s1;
	s21 =	smul.u32 $0x4E, s25;
	s13 =	smin.u32 s25, $0x4  }
0xe: {  	s16 =	sadd.s32 s16, s14;
	s14 =	sshrl.u32 s14, $0x3;
	p1 =	sgt.u32 s25, $0x3  }
0xf: {  	s25 =	simm.s32 $0x1;
	s22 =	sadd.s32 $0x4000, s5;
	s23 =	sadd.s32 $0x8000, s5  }
0x10: {  	s24 =	sadd.s32 $0xC000, s5;
	s9 =	sadd.s32 $0x10000, s5;
	[dreg:$0x4] =	wrdreg s22  }
0x11: {  	s16 =	sshrl.u32 s16, $0x3;
	s14 =	sadd.s32 s0, s14;
	[dreg:$0x5] =	wrdreg s23  }
0x12: {  	s15 =	smax.u32 s15, $0x1;
	[dreg:$0x6] =	wrdreg s24;
	s10 =	sadd.s32 s13, s21  }
0x13: {  	s13 =	sor.u32 s17, s13;
	s14 =	sadd.s32 $0x27000, s14;
	s21 =	simm.s32 $0x100  }
0x14: {  	s22 =	simm.s32 $0x180;
	s23 =	simm.s32 $0x200;
	s24 =	simm.s32 $0x280  }
0x15: {  	s12 =	sshll.u32 s10, $0x4;
	s10 =	sadd.s32 $0x138000, s1;
	s17 =	sadd.s32 s18, s13  }
0x16: {  	s13 =	sadd.s32 s0, s16;
	s18 =	simm.s32 $0x300;
	s12 =	sadd.s32 $0x4E0, s12  }
0x17: {  	s26 =	sshll.u32 s17, $0x4;
	s11 =	sadd.s32 s6, s12;
	s12 =	sadd.s32 s4, s12  }
0x18: {  	v0 =	vimm.f32 $0.0e+00;
	s16 =	sadd.s32 s26, s4;
	s17 =	sadd.s32 s26, s6;
	s26 =	simm.s32 $0x2  }
.LBB2_1:
0x19: {  	s0 =	sand.u32 $0xFE00, s2  }
0x1a: {  	s4 =	sand.u32 $0x70, s2;
	s6 =	sshrl.u32 s0, $0x2  }
0x1b: {  	s0 =	simm.s32 $0x40;
	s6 =	sor.u32 s4, s6;
	s4 =	simm.s32 $0x0  }
.LBB2_2:
0x1c: {  	p2 =	sne.s32 s0, $0xFFC0  }
0x1d: {  	[tilespmem:s6+$0x300] =	vst v0;
	s4 =	sadd.s32 $0x10, s4;
	s6 =	smov.u32 s0;
	s0 =	sadd.s32 $0x40, s0  }
.Ltmp0:
0x1e: {  	(pc) =	sbr.rel @p2 .LBB2_2-.Ltmp0, $4  }
0x1f: {  	_ = 	snop  }
0x20: {  	s6 =	sand.u32 $0xFE00, s6  }
0x21: {  	s7 =	sand.u32 $0x70, s4;
	s6 =	sshrl.u32 s6, $0x2  }
0x22: {  	s6 =	sor.u32 s7, s6  }
0x23: {  	[tilespmem:s6+$0x300] =	vst v0  }
0x24: {  	[spmem:s5] =	stream.linear.scatter [tilespmem:s18], [sflag:$0x4], $0x4000, $0x38;
	[tilespmem:$0x1FB80] =	vst v63  }
0x25: {  	_ =	swait.ge [sflag:s19], $0x4000  }
0x26: {  	[sflag:s19] =	ssyncset.done $0x0  }
0x27: {  	s0 =	rddreg [dreg:$0x4];
	[sflag:s19] =	ssyncadd.s32 $0xFFFFC000  }
0x28: {  	[spmem:s0] =	stream.linear.scatter [tilespmem:s18], [sflag:$0x4], $0x4000, $0x38;
	[tilespmem:$0x1FB80] =	vst v63  }
0x29: {  	_ =	swait.ge [sflag:s19], $0x4000  }
0x2a: {  	[sflag:s19] =	ssyncset.done $0x0  }
0x2b: {  	s6 =	rddreg [dreg:$0x5];
	[sflag:s19] =	ssyncadd.s32 $0xFFFFC000  }
0x2c: {  	[spmem:s6] =	stream.linear.scatter [tilespmem:s18], [sflag:$0x4], $0x4000, $0x38;
	[tilespmem:$0x1FB80] =	vst v63  }
0x2d: {  	_ =	swait.ge [sflag:s19], $0x4000  }
0x2e: {  	[sflag:s19] =	ssyncset.done $0x0  }
0x2f: {  	s7 =	rddreg [dreg:$0x6];
	[sflag:s19] =	ssyncadd.s32 $0xFFFFC000  }
0x30: {  	[spmem:s7] =	stream.linear.scatter [tilespmem:s18], [sflag:$0x4], $0x4000, $0x38;
	[tilespmem:$0x1FB80] =	vst v63  }
0x31: {  	_ =	swait.ge [sflag:s19], $0x4000  }
0x32: {  	[sflag:s19] =	ssyncset.done $0x0  }
0x33: {  	[sflag:s19] =	ssyncadd.s32 $0xFFFFC000  }
0x34: {  	[spmem:s9] =	stream.linear.scatter [tilespmem:s18], [sflag:$0x4], $0x3800, $0x38;
	[tilespmem:$0x1FB80] =	vst v63  }
0x35: {  	_ =	swait.ge [sflag:s19], $0x3800  }
0x36: {  	[sflag:s19] =	ssyncset.done $0x0  }
0x37: {  	s0 =	simm.s32 @!p0 $0x300;
	[sflag:s19] =	ssyncadd.s32 $0xFFFFC800  }
0x38: {  	[spmem:s10] =	stream.linear.scatter @!p0 [tilespmem:s0], [sflag:$0x4], $0x800, $0x38;
	[tilespmem:$0x1FB80] =	vst v63  }
0x39: {  	s0 =	simm.s32 @!p0 $0x4  }
0x3a: {  	_ =	swait.ge @!p0 [sflag:s0], $0x800  }
0x3b: {  	[sflag:s0] =	ssyncset.done @!p0 $0x0  }
0x3c: {  	[sflag:s0] =	ssyncadd.s32 @!p0 $0xFFFFF800  }
0x3d: {  	s0 =	sadd.s32 $0x0, s17;
	[bflag:$0x0] =	sbarrier.arrive $0xFFFF  }
0x3e: {  	[tilespmem:s2], [sflag:$0x1] =	stream.linear.gather [hbm4b:s0+s2], $0x80, $0x38;
	[tilespmem:$0x1FB80] =	vst v63  }
0x3f: {  	s4 =	sadd.s32 $0x0, s16  }
0x40: {  	[tilespmem:s20], [sflag:$0x1] =	stream.linear.gather [hbm4b:s4+s2], $0x80, $0x38;
	[tilespmem:$0x1FB80] =	vst v63  }
0x41: {  	s8 =	sadd.s32 $0x10, s0  }
0x42: {  	[tilespmem:s21], [sflag:$0x2] =	stream.linear.gather [hbm4b:s8+s2], $0x80, $0x38;
	[tilespmem:$0x1FB80] =	vst v63  }
0x43: {  	s7 =	sadd.s32 $0x10, s4  }
0x44: {  	[tilespmem:s22], [sflag:$0x2] =	stream.linear.gather [hbm4b:s7+s2], $0x80, $0x38;
	[tilespmem:$0x1FB80] =	vst v63  }
0x45: {  	s0 =	sadd.s32 $0x20, s0  }
0x46: {  	[tilespmem:s23], [sflag:$0x3] =	stream.linear.gather [hbm4b:s0+s2], $0x80, $0x38;
	[tilespmem:$0x1FB80] =	vst v63  }
0x47: {  	s8 =	sadd.s32 $0x20, s4  }
0x48: {  	[tilespmem:s24], [sflag:$0x3] =	stream.linear.gather [hbm4b:s8+s2], $0x80, $0x38;
	[tilespmem:$0x1FB80] =	vst v63  }
0x49: {  	_ =	swait.ge [sflag:s25], $0x80  }
0x4a: {  	[sflag:s25] =	ssyncset.done $0x0  }
0x4b: {  	[sflag:s25] =	ssyncadd.s32 $0xFFFFFF80  }
0x4c: {  	_ =	swait.ge [sflag:s25], $0x80  }
0x4d: {  	[sflag:s25] =	ssyncset.done $0x0  }
0x4e: {  	[sflag:s25] =	ssyncadd.s32 $0xFFFFFF80  }
0x4f: {  	[tilespmem:s18], [sflag:$0x1] =	stream.indirect.gather [hbm4b:s3+s20], $0x80, s2, s20, $0xb8;
	[tilespmem:$0x1FB80] =	vst v63  }
0x50: {  	_ =	swait.ge [sflag:s26], $0x80  }
0x51: {  	[sflag:s26] =	ssyncset.done $0x0  }
0x52: {  	[sflag:s26] =	ssyncadd.s32 $0xFFFFFF80  }
0x53: {  	_ =	swait.ge [sflag:s26], $0x80  }
0x54: {  	[sflag:s26] =	ssyncset.done $0x0  }
0x55: {  	[sflag:s26] =	ssyncadd.s32 $0xFFFFFF80  }
0x56: {  	[tilespmem:s28], [sflag:$0x2] =	stream.indirect.gather [hbm4b:s3+s20], $0x80, s21, s20, $0xb8;
	[tilespmem:$0x1FB80] =	vst v63  }
0x57: {  	_ =	swait.ge [sflag:s29], $0x80  }
0x58: {  	[sflag:s29] =	ssyncset.done $0x0  }
0x59: {  	[sflag:s29] =	ssyncadd.s32 $0xFFFFFF80  }
0x5a: {  	_ =	swait.ge [sflag:s29], $0x80  }
0x5b: {  	[sflag:s29] =	ssyncset.done $0x0  }
0x5c: {  	[sflag:s29] =	ssyncadd.s32 $0xFFFFFF80  }
0x5d: {  	[tilespmem:s30], [sflag:$0x3] =	stream.indirect.gather [hbm4b:s3+s20], $0x80, s23, s20, $0xb8;
	[tilespmem:$0x1FB80] =	vst v63  }
0x5e: {  	_ =	swait.ge [sflag:s25], $0x4000  }
0x5f: {  	[sflag:s25] =	ssyncset.done $0x0  }
0x60: {  	[sflag:s25] =	ssyncadd.s32 $0xFFFFC000  }
0x61: {  	[spmem:s1] =	stream.indirect.scatter.add.f32 [tilespmem:s18], [sflag:$0x4], $0x80, s20, s20, $0xb8;
	[tilespmem:$0x1FB80] =	vst v63  }
0x62: {  	_ =	swait.ge [sflag:s19], $0x4000  }
0x63: {  	[sflag:s19] =	ssyncset.done $0x0  }
0x64: {  	[sflag:s19] =	ssyncadd.s32 $0xFFFFC000  }
0x65: {  	_ =	swait.ge [sflag:s26], $0x4000  }
0x66: {  	[sflag:s26] =	ssyncset.done $0x0  }
0x67: {  	[sflag:s26] =	ssyncadd.s32 $0xFFFFC000  }
0x68: {  	[spmem:s1] =	stream.indirect.scatter.add.f32 [tilespmem:s28], [sflag:$0x4], $0x80, s22, s20, $0xb8;
	[tilespmem:$0x1FB80] =	vst v63  }
0x69: {  	_ =	swait.ge [sflag:s19], $0x4000  }
0x6a: {  	[sflag:s19] =	ssyncset.done $0x0  }
0x6b: {  	[sflag:s19] =	ssyncadd.s32 $0xFFFFC000  }
0x6c: {  	_ =	swait.ge [sflag:s29], $0x4000  }
0x6d: {  	[sflag:s29] =	ssyncset.done $0x0  }
0x6e: {  	[sflag:s29] =	ssyncadd.s32 $0xFFFFC000  }
0x6f: {  	[spmem:s1] =	stream.indirect.scatter.add.f32 [tilespmem:s30], [sflag:$0x4], $0x80, s24, s20, $0xb8;
	[tilespmem:$0x1FB80] =	vst v63  }
0x70: {  	_ =	swait.ge [sflag:s19], $0x4000  }
0x71: {  	s4 =	simm.s32 $0x60;
	s0 =	simm.s32 $0x30;
	[sflag:s19] =	ssyncset.done $0x0  }
.LBB2_4:
0x72: {  	s7 =	sadd.s32 s0, s17  }
0x73: {  	[sflag:s19] =	ssyncadd.s32 $0xFFFFC000;
	s8 =	smov.u32 s4;
	s6 =	sadd.s32 $0x30, s4  }
0x74: {  	[tilespmem:s2], [sflag:$0x1] =	stream.linear.gather [hbm4b:s7+s2], $0x80, $0x38;
	[tilespmem:$0x1FB80] =	vst v63  }
0x75: {  	p2 =	sne.s32 s4, $0x4B0;
	s4 =	sadd.s32 s0, s16;
	s0 =	smov.u32 s8  }
0x76: {  	[tilespmem:s20], [sflag:$0x1] =	stream.linear.gather [hbm4b:s4+s2], $0x80, $0x38;
	[tilespmem:$0x1FB80] =	vst v63  }
0x77: {  	s8 =	sadd.s32 $0x10, s7  }
0x78: {  	[tilespmem:s21], [sflag:$0x2] =	stream.linear.gather [hbm4b:s8+s2], $0x80, $0x38;
	[tilespmem:$0x1FB80] =	vst v63  }
0x79: {  	s8 =	sadd.s32 $0x10, s4  }
0x7a: {  	[tilespmem:s22], [sflag:$0x2] =	stream.linear.gather [hbm4b:s8+s2], $0x80, $0x38;
	[tilespmem:$0x1FB80] =	vst v63  }
0x7b: {  	s7 =	sadd.s32 $0x20, s7  }
0x7c: {  	[tilespmem:s23], [sflag:$0x3] =	stream.linear.gather [hbm4b:s7+s2], $0x80, $0x38;
	[tilespmem:$0x1FB80] =	vst v63  }
0x7d: {  	s4 =	sadd.s32 $0x20, s4  }
0x7e: {  	[tilespmem:s24], [sflag:$0x3] =	stream.linear.gather [hbm4b:s4+s2], $0x80, $0x38;
	[tilespmem:$0x1FB80] =	vst v63  }
0x7f: {  	_ =	swait.ge [sflag:s25], $0x80  }
0x80: {  	[sflag:s25] =	ssyncset.done $0x0  }
0x81: {  	[sflag:s25] =	ssyncadd.s32 $0xFFFFFF80  }
0x82: {  	_ =	swait.ge [sflag:s25], $0x80  }
0x83: {  	[sflag:s25] =	ssyncset.done $0x0  }
0x84: {  	[sflag:s25] =	ssyncadd.s32 $0xFFFFFF80  }
0x85: {  	[tilespmem:s18], [sflag:$0x1] =	stream.indirect.gather [hbm4b:s3+s20], $0x80, s2, s20, $0xb8;
	[tilespmem:$0x1FB80] =	vst v63  }
0x86: {  	_ =	swait.ge [sflag:s26], $0x80  }
0x87: {  	[sflag:s26] =	ssyncset.done $0x0  }
0x88: {  	[sflag:s26] =	ssyncadd.s32 $0xFFFFFF80  }
0x89: {  	_ =	swait.ge [sflag:s26], $0x80  }
0x8a: {  	[sflag:s26] =	ssyncset.done $0x0  }
0x8b: {  	[sflag:s26] =	ssyncadd.s32 $0xFFFFFF80  }
0x8c: {  	[tilespmem:s28], [sflag:$0x2] =	stream.indirect.gather [hbm4b:s3+s20], $0x80, s21, s20, $0xb8;
	[tilespmem:$0x1FB80] =	vst v63  }
0x8d: {  	_ =	swait.ge [sflag:s29], $0x80  }
0x8e: {  	[sflag:s29] =	ssyncset.done $0x0  }
0x8f: {  	[sflag:s29] =	ssyncadd.s32 $0xFFFFFF80  }
0x90: {  	_ =	swait.ge [sflag:s29], $0x80  }
0x91: {  	[sflag:s29] =	ssyncset.done $0x0  }
0x92: {  	[sflag:s29] =	ssyncadd.s32 $0xFFFFFF80  }
0x93: {  	[tilespmem:s30], [sflag:$0x3] =	stream.indirect.gather [hbm4b:s3+s20], $0x80, s23, s20, $0xb8;
	[tilespmem:$0x1FB80] =	vst v63  }
0x94: {  	_ =	swait.ge [sflag:s25], $0x4000  }
0x95: {  	[sflag:s25] =	ssyncset.done $0x0  }
0x96: {  	[sflag:s25] =	ssyncadd.s32 $0xFFFFC000  }
0x97: {  	[spmem:s1] =	stream.indirect.scatter.add.f32 [tilespmem:s18], [sflag:$0x4], $0x80, s20, s20, $0xb8;
	[tilespmem:$0x1FB80] =	vst v63  }
0x98: {  	_ =	swait.ge [sflag:s19], $0x4000  }
0x99: {  	[sflag:s19] =	ssyncset.done $0x0  }
0x9a: {  	[sflag:s19] =	ssyncadd.s32 $0xFFFFC000  }
0x9b: {  	_ =	swait.ge [sflag:s26], $0x4000  }
0x9c: {  	[sflag:s26] =	ssyncset.done $0x0  }
0x9d: {  	[sflag:s26] =	ssyncadd.s32 $0xFFFFC000  }
0x9e: {  	[spmem:s1] =	stream.indirect.scatter.add.f32 [tilespmem:s28], [sflag:$0x4], $0x80, s22, s20, $0xb8;
	[tilespmem:$0x1FB80] =	vst v63  }
0x9f: {  	_ =	swait.ge [sflag:s19], $0x4000  }
0xa0: {  	[sflag:s19] =	ssyncset.done $0x0  }
0xa1: {  	[sflag:s19] =	ssyncadd.s32 $0xFFFFC000  }
0xa2: {  	_ =	swait.ge [sflag:s29], $0x4000  }
.Ltmp1:
0xa3: {  	[sflag:s29] =	ssyncset.done $0x0;
	(pc) =	sbr.rel @p2 .LBB2_4-.Ltmp1, $4  }
0xa4: {  	[sflag:s29] =	ssyncadd.s32 $0xFFFFC000  }
0xa5: {  	[spmem:s1] =	stream.indirect.scatter.add.f32 [tilespmem:s30], [sflag:$0x4], $0x80, s24, s20, $0xb8;
	[tilespmem:$0x1FB80] =	vst v63  }
0xa6: {  	_ =	swait.ge [sflag:s19], $0x4000  }
0xa7: {  	s4 =	smov.u32 s6;
	[sflag:s19] =	ssyncset.done $0x0  }
0xa8: {  	s4 =	sadd.s32 s0, s17;
	[sflag:s19] =	ssyncadd.s32 $0xFFFFC000  }
0xa9: {  	[tilespmem:s2], [sflag:$0x1] =	stream.linear.gather [hbm4b:s4+s2], $0x80, $0x38;
	[tilespmem:$0x1FB80] =	vst v63  }
0xaa: {  	s7 =	sadd.s32 s0, s16  }
0xab: {  	[tilespmem:s20], [sflag:$0x1] =	stream.linear.gather [hbm4b:s7+s2], $0x80, $0x38;
	[tilespmem:$0x1FB80] =	vst v63  }
0xac: {  	s6 =	sadd.s32 $0x10, s4  }
0xad: {  	[tilespmem:s21], [sflag:$0x2] =	stream.linear.gather [hbm4b:s6+s2], $0x80, $0x38;
	[tilespmem:$0x1FB80] =	vst v63  }
0xae: {  	s8 =	sadd.s32 $0x10, s7  }
0xaf: {  	[tilespmem:s22], [sflag:$0x2] =	stream.linear.gather [hbm4b:s8+s2], $0x80, $0x38;
	[tilespmem:$0x1FB80] =	vst v63  }
0xb0: {  	s4 =	sadd.s32 $0x20, s4  }
0xb1: {  	[tilespmem:s23], [sflag:$0x3] =	stream.linear.gather [hbm4b:s4+s2], $0x80, $0x38;
	[tilespmem:$0x1FB80] =	vst v63  }
0xb2: {  	s0 =	sadd.s32 $0x20, s7  }
0xb3: {  	[tilespmem:s24], [sflag:$0x3] =	stream.linear.gather [hbm4b:s0+s2], $0x80, $0x38;
	[tilespmem:$0x1FB80] =	vst v63  }
0xb4: {  	_ =	swait.ge [sflag:s25], $0x80  }
0xb5: {  	[sflag:s25] =	ssyncset.done $0x0  }
0xb6: {  	[sflag:s25] =	ssyncadd.s32 $0xFFFFFF80  }
0xb7: {  	_ =	swait.ge [sflag:s25], $0x80  }
0xb8: {  	[sflag:s25] =	ssyncset.done $0x0  }
0xb9: {  	[sflag:s25] =	ssyncadd.s32 $0xFFFFFF80  }
0xba: {  	[tilespmem:s18], [sflag:$0x1] =	stream.indirect.gather [hbm4b:s3+s20], $0x80, s2, s20, $0xb8;
	[tilespmem:$0x1FB80] =	vst v63  }
0xbb: {  	_ =	swait.ge [sflag:s26], $0x80  }
0xbc: {  	[sflag:s26] =	ssyncset.done $0x0  }
0xbd: {  	[sflag:s26] =	ssyncadd.s32 $0xFFFFFF80  }
0xbe: {  	_ =	swait.ge [sflag:s26], $0x80  }
0xbf: {  	[sflag:s26] =	ssyncset.done $0x0  }
0xc0: {  	[sflag:s26] =	ssyncadd.s32 $0xFFFFFF80  }
0xc1: {  	[tilespmem:s28], [sflag:$0x2] =	stream.indirect.gather [hbm4b:s3+s20], $0x80, s21, s20, $0xb8;
	[tilespmem:$0x1FB80] =	vst v63  }
0xc2: {  	_ =	swait.ge [sflag:s29], $0x80  }
0xc3: {  	[sflag:s29] =	ssyncset.done $0x0  }
0xc4: {  	[sflag:s29] =	ssyncadd.s32 $0xFFFFFF80  }
0xc5: {  	_ =	swait.ge [sflag:s29], $0x80  }
0xc6: {  	[sflag:s29] =	ssyncset.done $0x0  }
0xc7: {  	[sflag:s29] =	ssyncadd.s32 $0xFFFFFF80  }
0xc8: {  	[tilespmem:s30], [sflag:$0x3] =	stream.indirect.gather [hbm4b:s3+s20], $0x80, s23, s20, $0xb8;
	[tilespmem:$0x1FB80] =	vst v63  }
0xc9: {  	_ =	swait.ge [sflag:s25], $0x4000  }
0xca: {  	[sflag:s25] =	ssyncset.done $0x0  }
0xcb: {  	[sflag:s25] =	ssyncadd.s32 $0xFFFFC000  }
0xcc: {  	[spmem:s1] =	stream.indirect.scatter.add.f32 [tilespmem:s18], [sflag:$0x4], $0x80, s20, s20, $0xb8;
	[tilespmem:$0x1FB80] =	vst v63  }
0xcd: {  	_ =	swait.ge [sflag:s19], $0x4000  }
0xce: {  	[sflag:s19] =	ssyncset.done $0x0  }
0xcf: {  	[sflag:s19] =	ssyncadd.s32 $0xFFFFC000  }
0xd0: {  	_ =	swait.ge [sflag:s26], $0x4000  }
0xd1: {  	[sflag:s26] =	ssyncset.done $0x0  }
0xd2: {  	[sflag:s26] =	ssyncadd.s32 $0xFFFFC000  }
0xd3: {  	[spmem:s1] =	stream.indirect.scatter.add.f32 [tilespmem:s28], [sflag:$0x4], $0x80, s22, s20, $0xb8;
	[tilespmem:$0x1FB80] =	vst v63  }
0xd4: {  	_ =	swait.ge [sflag:s19], $0x4000  }
0xd5: {  	[sflag:s19] =	ssyncset.done $0x0  }
0xd6: {  	[sflag:s19] =	ssyncadd.s32 $0xFFFFC000  }
0xd7: {  	_ =	swait.ge [sflag:s29], $0x4000  }
0xd8: {  	[sflag:s29] =	ssyncset.done $0x0  }
0xd9: {  	[sflag:s29] =	ssyncadd.s32 $0xFFFFC000  }
0xda: {  	[spmem:s1] =	stream.indirect.scatter.add.f32 [tilespmem:s30], [sflag:$0x4], $0x80, s24, s20, $0xb8;
	[tilespmem:$0x1FB80] =	vst v63  }
0xdb: {  	_ =	swait.ge [sflag:s19], $0x4000  }
0xdc: {  	[sflag:s19] =	ssyncset.done $0x0  }
0xdd: {  	s4 =	simm.s32 @!p1 $0x4;
	s0 =	simm.s32 @!p1 $0x0;
	[sflag:s19] =	ssyncadd.s32 $0xFFFFC000  }
0xde: {  	[tilespmem:s0], [sflag:$0x4] =	stream.linear.gather @!p1 [hbm4b:s11+s0], $0x80, $0x38;
	[tilespmem:$0x1FB80] =	vst v63  }
0xdf: {  	_ =	swait.ge @!p1 [sflag:s4], $0x80  }
0xe0: {  	[sflag:s4] =	ssyncset.done @!p1 $0x0  }
0xe1: {  	s6 =	simm.s32 @!p1 $0x80;
	[sflag:s4] =	ssyncadd.s32 @!p1 $0xFFFFFF80  }
0xe2: {  	[tilespmem:s6], [sflag:$0x4] =	stream.linear.gather @!p1 [hbm4b:s12+s0], $0x80, $0x38;
	[tilespmem:$0x1FB80] =	vst v63  }
0xe3: {  	_ =	swait.ge @!p1 [sflag:s4], $0x80  }
0xe4: {  	[sflag:s4] =	ssyncset.done @!p1 $0x0  }
0xe5: {  	s7 =	simm.s32 @!p1 $0x300;
	[sflag:s4] =	ssyncadd.s32 @!p1 $0xFFFFFF80  }
0xe6: {  	[tilespmem:s7], [sflag:$0x1] =	stream.indirect.gather @!p1 [hbm4b:s3+s6], $0x80, s0, s6, $0xb8;
	[tilespmem:$0x1FB80] =	vst v63  }
0xe7: {  	s0 =	simm.s32 @!p1 $0x1  }
0xe8: {  	_ =	swait.ge @!p1 [sflag:s0], $0x4000  }
0xe9: {  	[sflag:s0] =	ssyncset.done @!p1 $0x0  }
0xea: {  	[sflag:s0] =	ssyncadd.s32 @!p1 $0xFFFFC000  }
0xeb: {  	[spmem:s1] =	stream.indirect.scatter.add.f32 @!p1 [tilespmem:s7], [sflag:$0x4], $0x80, s6, s6, $0xb8;
	[tilespmem:$0x1FB80] =	vst v63  }
0xec: {  	_ =	swait.ge @!p1 [sflag:s4], $0x4000  }
0xed: {  	s7 =	stileid.u32;
	[sflag:s4] =	ssyncset.done @!p1 $0x0  }
0xee: {  	s0 =	sshll.u32 s7, $0x6;
	[sflag:s4] =	ssyncadd.s32 @!p1 $0xFFFFC000  }
0xef: {  	s8 =	sshrl.u32 s5, $0x3;
	s0 =	sor.u32 $0x1C04, s0;
	[bflag:$0x0] =	sbarrier.arrive $0xFFFF  }
0xf0: {  	[hbm:s13], [sflag:s0] =	dma.local [spmem:s8], $0x2700  }
0xf1: {  	_ =	swait.ge [sflag:s19], $0x2700  }
0xf2: {  	s31 =	sadd.s32 $0x1, s31;
	[sflag:s19] =	ssyncset.done $0x0  }
0xf3: {  	p2 =	sne.s32 s31, s15;
	s4 =	sshrl.u32 @!p0 s10, $0x3;
	[sflag:s19] =	ssyncadd.s32 $0xFFFFD900  }
0xf4: {  	[hbm:s14], [sflag:s0] =	dma.local @!p0 [spmem:s4], $0x100  }
.Ltmp2:
0xf5: {  	_ = 	snop;
	(pc) =	sbr.rel @p2 .LBB2_1-.Ltmp2, $4  }
0xf6: {  	s0 =	simm.s32 @!p0 $0x4  }
0xf7: {  	_ =	swait.ge @!p0 [sflag:s0], $0x100  }
0xf8: {  	[sflag:s0] =	ssyncset.done @!p0 $0x0  }
0xf9: {  	[sflag:s0] =	ssyncadd.s32 @!p0 $0xFFFFFF00  }
0xfa: {  	_ =	sfence.sel $0x180000  }
0xfb: {  	[bflag:$0x0] =	sbarrier.arrive $0xFFFF  }
0xfc: {  	_ =	strace $0x9000004A  }
0xfd: {  	[bflag:$0x2] =	sbarrier.arrive $0xFFFF  }
0xfe: {  	s0 =	rddreg [dreg:$0x3]  }
0xff: {  	s0 =	sadd.s32 @!p0 $0x100000, s0  }
0x100: {  	[sflag:s0] =	ssyncadd.tile.s32 @!p0 $0x1;
	_ =	shalt  }
.Lfunc_end2:
_tile_overlayer_lowered:
.L_overlay_start_2:
0x101: {  	(tag) =	ssettag $0x2  }
0x102: {  	s0 =	rddreg [dreg:$0x0];
	s2 =	stileid.u32  }
0x103: {  	s1 =	rddreg [dreg:$0x1];
	p0 =	sne.s32 s2, $0x0  }
0x104: {  	s3 =	rddreg [dreg:$0x2];
	[bflag:$0x3] =	sbarrier.arrive $0xFFFF;
	s2 =	simm.s32 @!p0 $0x1C04  }
0x105: {  	[timem:s3], [sflag:s2] =	dma.local @!p0 [hbm:s0], s1  }
0x106: {  	s0 =	simm.s32 @!p0 $0x4  }
0x107: {  	_ =	swait.ge @!p0 [sflag:s0], s1  }
0x108: {  	s1 =	ssub.s32 @!p0 $0x0, s1;
	[sflag:s0] =	ssyncset.done @!p0 $0x0  }
0x109: {  	[sflag:s0] =	ssyncadd.s32 @!p0 s1  }
0x10a: {  	[bflag:$0x3] =	sbarrier.arrive $0xFFFF  }
0x10b: {  	_ =	shalt  }

// kernel: kernel.8.cloned.1.call-start
scs
__scs_entry_jumppad:
0x0: {  	(pc) =	sbr.rel $0x88, $3  }
0x1: {  	(tag) =	ssettag $0x0;
	lr =	simm.s32 $0x1  }
0x2: {  	[smem:$0x3F92] =	sst lr;
	_ =	strace $0xD0000000  }
0x3: {  	_ = 	snop  }
0x4: {  	_ = 	snop  }
0x5: {  	_ = 	snop  }
0x6: {  	_ = 	snop  }
0x7: {  	_ = 	snop  }
__scs_overlays_trampoline_lowered:
0x8: {  	[smem:$0x3FA1] =	sst s0  }
0x9: {  	[smem:$0x3FA2] =	sst s1  }
0xa: {  	[smem:$0x3FA3] =	sst s2  }
0xb: {  	[smem:$0x3FA4] =	sst s3  }
0xc: {  	[smem:$0x3FA5] =	sst s4  }
0xd: {  	[smem:$0x3FA6] =	sst s5  }
0xe: {  	[smem:$0x3FA7] =	sst s6  }
0xf: {  	[smem:$0x3FA8] =	sst s7  }
0x10: {  	[smem:$0x3FA9] =	sst s8  }
0x11: {  	[smem:$0x3FAA] =	sst s9;
	s0 =	simm.s32 @!p0 $0x0  }
0x12: {  	s1 =	sld [smem:$0x3F90];
	s0 =	simm.s32 @p0 $0x1  }
0x13: {  	[smem:$0x3FAB] =	sst s0;
	s0 =	simm.s32 @!p1 $0x0  }
0x14: {  	s2 =	sld [smem:$0x3F8F];
	s0 =	simm.s32 @p1 $0x1  }
0x15: {  	[smem:$0x3FAC] =	sst s0;
	s0 =	simm.s32 @!p2 $0x0  }
0x16: {  	s3 =	sld [smem:$0x3FDB];
	s0 =	simm.s32 @p2 $0x1  }
0x17: {  	s4 =	simm.s32 $0x1BF5;
	[smem:$0x3FAE] =	sst s0  }
0x18: {  	s0 =	sld [smem:$0x3F91];
	_ =	swait.ge [sflag:s4], $0x0  }
0x19: {  	s7 =	sld [smem:$0x3F92]  }
0x1a: {  	s8 =	sadd.s32 $0xFFFFE003, lr  }
0x1b: {  	s9 =	sadd.s32 $0xFFFFFEF7, lr;
	s5 =	simm.s32 $0xFFFFFFFF;
	p2 =	slt.u32 s8, $0xFFFFF086  }
0x1c: {  	p1 =	slt.u32 s9, $0xF7A;
	s5 =	simm.s32 @!p2 $0x0  }
0x1d: {  	s5 =	simm.s32 @p1 $0x1;
	p0 =	seq.s32 s7, s2  }
0x1e: {  	s7 =	smul.u32 @!p0 $0xF7A, s2;
	p2 =	seq.s32 @!p0 s5, $0x0  }
0x1f: {  	s9 =	smul.u32 $0xF7A, s1;
	s8 =	simm.s32 @!p0 $0x1BF5;
	p2 =	por !p2, p0  }
0x20: {  	[sflag:s8] =	ssyncset.s32 @!p0 $0xFFFFF086;
	s6 =	sadd.s32 @!p0 s3, s7;
	s7 =	simm.s32 @!p0 $0x108  }
0x21: {  	s3 =	sadd.s32 s3, s9;
	s6 =	sadd.s32 @!p0 $0x88, s6;
	s7 =	simm.s32 @p2 $0x1082  }
0x22: {  	[simem:s7], [sflag:s8] =	dma.local @!p0 [hbm:s6], $0xF7A  }
0x23: {  	s9 =	sor.u32 $0xD0000000, s2;
	s6 =	simm.s32 $0x108;
	_ =	swait.ge @!p0 [sflag:s8], $0x0  }
0x24: {  	s3 =	sadd.s32 $0x88, s3;
	s6 =	simm.s32 @!p1 $0x1082;
	[sflag:s4] =	ssyncset.s32 $0xFFFFF086  }
0x25: {  	[simem:s6], [sflag:s4] =	dma.local [hbm:s3], $0xF7A  }
0x26: {  	[smem:$0x3F92] =	sst s1;
	(tag) =	ssettag s2;
	_ =	strace s9  }
0x27: {  	s1 =	sld [smem:$0x3FA2]  }
0x28: {  	s2 =	sld [smem:$0x3FA3]  }
0x29: {  	s4 =	sld [smem:$0x3FA5]  }
0x2a: {  	p0 =	seq.s32 s5, $0x0;
	s5 =	sld [smem:$0x3FA6]  }
0x2b: {  	s6 =	sld [smem:$0x3FA7]  }
0x2c: {  	s7 =	sld [smem:$0x3FA8]  }
0x2d: {  	s3 =	simm.s32 $0x108;
	s8 =	sld [smem:$0x3FA9]  }
0x2e: {  	s3 =	simm.s32 @!p0 $0x1082;
	s9 =	sld [smem:$0x3FAA]  }
0x2f: {  	lr =	sadd.s32 s0, s3;
	s0 =	sld [smem:$0x3FA1]  }
0x30: {  	s3 =	sld [smem:$0x3FA4]  }
0x31: {  	[smem:$0x3FAD] =	sst s10  }
0x32: {  	s10 =	sld [smem:$0x3FAB];
	_ =	sdelay $0x3  }
0x33: {  	p0 =	seq.s32 s10, $0x1;
	s10 =	sld [smem:$0x3FAD];
	_ =	sdelay $0x3  }
0x34: {  	[smem:$0x3FAD] =	sst s10  }
0x35: {  	s10 =	sld [smem:$0x3FAC];
	_ =	sdelay $0x3  }
0x36: {  	p1 =	seq.s32 s10, $0x1;
	s10 =	sld [smem:$0x3FAD];
	_ =	sdelay $0x3  }
0x37: {  	[smem:$0x3FAD] =	sst s10  }
0x38: {  	s10 =	sld [smem:$0x3FAE]  }
0x39: {  	_ = 	snop;
	(pc) =	sbr.ind lr, $3  }
0x3a: {  	_ = 	snop  }
0x3b: {  	_ = 	snop  }
0x3c: {  	p2 =	seq.s32 s10, $0x1;
	s10 =	sld [smem:$0x3FAD]  }
0x3d: {  	_ =	shalt  }
0x3e: {  	_ =	shalt  }
0x3f: {  	_ =	shalt  }
0x40: {  	_ =	shalt  }
0x41: {  	_ =	shalt  }
0x42: {  	_ =	shalt  }
0x43: {  	_ =	shalt  }
0x44: {  	_ =	shalt  }
0x45: {  	_ =	shalt  }
0x46: {  	_ =	shalt  }
0x47: {  	_ =	shalt  }
0x48: {  	_ =	shalt  }
0x49: {  	_ =	shalt  }
0x4a: {  	_ =	shalt  }
0x4b: {  	_ =	shalt  }
0x4c: {  	_ =	shalt  }
0x4d: {  	_ =	shalt  }
0x4e: {  	_ =	shalt  }
0x4f: {  	_ =	shalt  }
0x50: {  	_ =	shalt  }
0x51: {  	_ =	shalt  }
0x52: {  	_ =	shalt  }
0x53: {  	_ =	shalt  }
0x54: {  	_ =	shalt  }
0x55: {  	_ =	shalt  }
0x56: {  	_ =	shalt  }
0x57: {  	_ =	shalt  }
0x58: {  	_ =	shalt  }
0x59: {  	_ =	shalt  }
0x5a: {  	_ =	shalt  }
0x5b: {  	_ =	shalt  }
0x5c: {  	_ =	shalt  }
0x5d: {  	_ =	shalt  }
0x5e: {  	_ =	shalt  }
0x5f: {  	_ =	shalt  }
0x60: {  	_ =	shalt  }
0x61: {  	_ =	shalt  }
0x62: {  	_ =	shalt  }
0x63: {  	_ =	shalt  }
0x64: {  	_ =	shalt  }
0x65: {  	_ =	shalt  }
0x66: {  	_ =	shalt  }
0x67: {  	_ =	shalt  }
0x68: {  	_ =	shalt  }
0x69: {  	_ =	shalt  }
0x6a: {  	_ =	shalt  }
0x6b: {  	_ =	shalt  }
0x6c: {  	_ =	shalt  }
0x6d: {  	_ =	shalt  }
0x6e: {  	_ =	shalt  }
0x6f: {  	_ =	shalt  }
0x70: {  	_ =	shalt  }
0x71: {  	_ =	shalt  }
0x72: {  	_ =	shalt  }
0x73: {  	_ =	shalt  }
0x74: {  	_ =	shalt  }
0x75: {  	_ =	shalt  }
0x76: {  	_ =	shalt  }
0x77: {  	_ =	shalt  }
0x78: {  	_ =	shalt  }
0x79: {  	_ =	shalt  }
0x7a: {  	_ =	shalt  }
0x7b: {  	_ =	shalt  }
0x7c: {  	_ =	shalt  }
0x7d: {  	_ =	shalt  }
0x7e: {  	_ =	shalt  }
0x7f: {  	_ =	shalt  }
0x80: {  	_ =	shalt  }
0x81: {  	_ =	shalt  }
0x82: {  	_ =	shalt  }
0x83: {  	_ =	shalt  }
0x84: {  	_ =	shalt  }
0x85: {  	_ =	shalt  }
0x86: {  	_ =	shalt  }
0x87: {  	_ =	shalt  }
.Lfunc_end0:
.L_simem_size_0:
called_computation_lowered:
.L_overlay_start_0:
0x88: {  	s2 =	sld [smem:$0x3FD9]  }
0x89: {  	s3 =	sld [smem:$0x3FFE];
	_ =	sdelay $0x1  }
0x8a: {  	s1 =	srdreg.scid  }
0x8b: {  	s0 =	sand.u32 $0x1, s1  }
0x8c: {  	s17 =	sshll.u32 s0, $0xA;
	s2 =	sadd.s32 s3, s2  }
0x8d: {  	s2 =	sadd.s32 s2, s17  }
0x8e: {  	[smem:$0x3FB9] =	sst s2  }
0x8f: {  	_ = 	snop  }
0x90: {  	s2 =	sld [smem:$0x3FD0];
	(tm) =	ssettm $0x1  }
0x91: {  	s18 =	sld [smem:$0x3FFB];
	_ =	sdelay $0x3  }
0x92: {  	_ =	strace s18  }
0x93: {  	s3 =	sld [smem:$0x3FFC];
	_ =	sdelay $0x3  }
0x94: {  	_ =	strace s3  }
0x95: {  	s3 =	sld [smem:$0x3FFD];
	_ =	sdelay $0x3  }
0x96: {  	_ =	strace s3  }
0x97: {  	_ =	strace $0x8FFFFFFF  }
0x98: {  	s19 =	sld [smem:$0x3FDB];
	_ =	sdelay $0x1  }
0x99: {  	s4 =	simm.s32 $_scs_section_size  }
0x9a: {  	s5 =	simm.s32 $_size__tile_overlayer_lowered;
	s6 =	simm.s32 $_tile_overlayer_lowered  }
0x9b: {  	s22 =	simm.s32 $0x1BFF;
	s21 =	sshll.u32 s6, $0x1;
	s3 =	sadd.s32 s4, s19  }
0x9c: {  	s7 =	simm.s32 $0x0;
	s20 =	sshll.u32 s5, $0x1;
	s5 =	sadd.s32 s21, s3  }
0x9d: {  	[timem:s7], [sflag:s22] =	dma.local [hbm:s5], s20  }
0x9e: {  	_ =	swait.ge [sflag:s22], s20  }
0x9f: {  	s4 =	ssub.s32 $0x0, s20;
	[sflag:s22] =	ssyncset.done $0x0  }
0xa0: {  	[sflag:s22] =	ssyncadd.s32 s4;
	_ =	sdelay $0x1  }
0xa1: {  	s23 =	simm.s32 $0x1B8B  }
0xa2: {  	_ =	swait.ge [sflag:s23], $0x1  }
0xa3: {  	[sflag:s23] =	ssyncset.done $0x0  }
0xa4: {  	s25 =	simm.s32 $0x1B8E;
	s24 =	sld [smem:$0x3FFE];
	[sflag:s23] =	ssyncadd.s32 $0xFFFFFFFF  }
0xa5: {  	s26 =	simm.s32 $execute0_lowered;
	[smem:$0x3FD2] =	sst s25  }
0xa6: {  	s5 =	sshll.u32 s26, $0x1;
	_ =	strace $0x80000046;
	[dreg:$0x1] =	wrdreg $0xFFFFFFFF  }
0xa7: {  	s28 =	simm.s32 $_size_execute0_lowered;
	s3 =	sadd.s32 s3, s5;
	[dreg:$0x0] =	wrdreg $0x0  }
0xa8: {  	s5 =	sshll.u32 s28, $0x1;
	[dreg:$0x2] =	wrdreg s3  }
0xa9: {  	[dreg:$0x3] =	wrdreg s5  }
0xaa: {  	[dreg:$0x4] =	wrdreg $0xC0  }
0xab: {  	_ =	task [dreg:s7], $0x5FFFF  }
0xac: {  	[dreg:$0x1] =	wrdreg $0xFFFFFFFF  }
0xad: {  	[dreg:$0x0] =	wrdreg $0x60  }
0xae: {  	[dreg:$0x2] =	wrdreg s24  }
0xaf: {  	[dreg:$0x3] =	wrdreg s2  }
0xb0: {  	[dreg:$0x4] =	wrdreg $0xC3000  }
0xb1: {  	[dreg:$0x5] =	wrdreg $0x9  }
0xb2: {  	_ =	task.clear_ibuf [dreg:s7], $0x6FFFF;
	_ =	strace $0x90000046  }
0xb3: {  	s29 =	simm.s32 $0x9;
	_ =	strace $0x80000048  }
0xb4: {  	_ =	swait.ge [sflag:s29], $0x1  }
0xb5: {  	[sflag:s29] =	ssyncadd.s32 $0xFFFFFFFF  }
0xb6: {  	_ =	strace $0x90000048  }
0xb7: {  	_ =	sfence  }
0xb8: {  	s30 =	sld [smem:$0x0];
	_ =	sdelay $0x2  }
0xb9: {  	s31 =	sshll.u32 s1, $0xD;
	s1 =	sshrl.u32 s1, $0x2  }
0xba: {  	s3 =	sand.u32 $0x4000, s31;
	s1 =	sadd.s32 s1, s30  }
0xbb: {  	s0 =	sor.u32 s3, s0;
	s1 =	sshll.u32 s1, $0x11  }
0xbc: {  	s0 =	sor.u32 s1, s0  }
0xbd: {  	s0 =	sadd.s32 $0x8F2B, s0  }
0xbe: {  	[sflag:s0] =	ssyncadd.remote.s32 $0x1  }
0xbf: {  	_ =	sfence.sel $0xFFFF  }
0xc0: {  	[dreg:$0x0] =	wrdreg $0xFFFFFFFF;
	(pc) =	sbr.abs _section_cstart, $3  }
0xc1: {  	[dreg:$0x1] =	wrdreg $0xFFFFFFFF  }
0xc2: {  	_ =	task.clear_ibuf [dreg:s7], $0x2FFFF;
	_ =	strace $0x9FFFFFFF  }
0xc3: {  	(tm) =	ssettm $0x7FFFFFFF  }
tec
execute0_lowered:
.L_overlay_start_1:
0x0: {  	(tag) =	ssettag $0x1  }
0x1: {  	s0 =	rddreg [dreg:$0x0]  }
0x2: {  	s4 =	rddreg [dreg:$0x1]  }
0x3: {  	s1 =	rddreg [dreg:$0x2]  }
0x4: {  	s2 =	simm.s32 $0x0;
	s5 =	srdreg.scid;
	s19 =	stileid.u32  }
0x5: {  	s28 =	simm.s32 $0x4300;
	s29 =	simm.s32 $0x3;
	s30 =	simm.s32 $0x8300  }
0x6: {  	s31 =	simm.s32 $0x0;
	[smem:$0x7FF] =	sst s2;
	s20 =	smul.u32 $0x4E000, s19  }
0x7: {  	s3 =	sadd.s32 $0xC400, s0;
	s6 =	sadd.s32 $0x2600, s0;
	s16 =	smul.u32 $0x13800, s19  }
0x8: {  	s11 =	sand.u32 $0x1, s5;
	s0 =	sadd.s32 $0xCFA00, s0;
	s18 =	smul.u32 $0x4E, s19  }
0x9: {  	p0 =	sne.s32 s19, $0x0;
	_ =	strace $0x80000047;
	s14 =	smul.u32 $0x138800, s11  }
0xa: {  	s7 =	ssub.s32 $0x2, s11;
	s8 =	sshll.u32 s11, $0x4;
	s17 =	smul.u32 $0x4E0, s11  }
0xb: {  	s9 =	sshrl.u32 s7, $0x1;
	s25 =	sor.u32 s19, s8;
	s5 =	sshrl.u32 s20, $0x2  }
0xc: {  	s19 =	simm.s32 $0x4;
	s20 =	simm.s32 $0x80;
	s15 =	ssub.s32 s7, s9  }
0xd: {  	s5 =	sadd.s32 s5, s1;
	s21 =	smul.u32 $0x4E, s25;
	s13 =	smin.u32 s25, $0x4  }
0xe: {  	s16 =	sadd.s32 s16, s14;
	s14 =	sshrl.u32 s14, $0x3;
	p1 =	sgt.u32 s25, $0x3  }
0xf: {  	s25 =	simm.s32 $0x1;
	s22 =	sadd.s32 $0x4000, s5;
	s23 =	sadd.s32 $0x8000, s5  }
0x10: {  	s24 =	sadd.s32 $0xC000, s5;
	s9 =	sadd.s32 $0x10000, s5;
	[dreg:$0x4] =	wrdreg s22  }
0x11: {  	s16 =	sshrl.u32 s16, $0x3;
	s14 =	sadd.s32 s0, s14;
	[dreg:$0x5] =	wrdreg s23  }
0x12: {  	s15 =	smax.u32 s15, $0x1;
	[dreg:$0x6] =	wrdreg s24;
	s10 =	sadd.s32 s13, s21  }
0x13: {  	s13 =	sor.u32 s17, s13;
	s14 =	sadd.s32 $0x27000, s14;
	s21 =	simm.s32 $0x100  }
0x14: {  	s22 =	simm.s32 $0x180;
	s23 =	simm.s32 $0x200;
	s24 =	simm.s32 $0x280  }
0x15: {  	s12 =	sshll.u32 s10, $0x4;
	s10 =	sadd.s32 $0x138000, s1;
	s17 =	sadd.s32 s18, s13  }
0x16: {  	s13 =	sadd.s32 s0, s16;
	s18 =	simm.s32 $0x300;
	s12 =	sadd.s32 $0x4E0, s12  }
0x17: {  	s26 =	sshll.u32 s17, $0x4;
	s11 =	sadd.s32 s6, s12;
	s12 =	sadd.s32 s4, s12  }
0x18: {  	v0 =	vimm.f32 $0.0e+00;
	s16 =	sadd.s32 s26, s4;
	s17 =	sadd.s32 s26, s6;
	s26 =	simm.s32 $0x2  }
.LBB2_1:
0x19: {  	s0 =	sand.u32 $0xFE00, s2  }
0x1a: {  	s4 =	sand.u32 $0x70, s2;
	s6 =	sshrl.u32 s0, $0x2  }
0x1b: {  	s0 =	simm.s32 $0x40;
	s6 =	sor.u32 s4, s6;
	s4 =	simm.s32 $0x0  }
.LBB2_2:
0x1c: {  	p2 =	sne.s32 s0, $0xFFC0  }
0x1d: {  	[tilespmem:s6+$0x300] =	vst v0;
	s4 =	sadd.s32 $0x10, s4;
	s6 =	smov.u32 s0;
	s0 =	sadd.s32 $0x40, s0  }
.Ltmp0:
0x1e: {  	(pc) =	sbr.rel @p2 .LBB2_2-.Ltmp0, $4  }
0x1f: {  	_ = 	snop  }
0x20: {  	s6 =	sand.u32 $0xFE00, s6  }
0x21: {  	s7 =	sand.u32 $0x70, s4;
	s6 =	sshrl.u32 s6, $0x2  }
0x22: {  	s6 =	sor.u32 s7, s6  }
0x23: {  	[tilespmem:s6+$0x300] =	vst v0  }
0x24: {  	[spmem:s5] =	stream.linear.scatter [tilespmem:s18], [sflag:$0x4], $0x4000, $0x38;
	[tilespmem:$0x1FB80] =	vst v63  }
0x25: {  	_ =	swait.ge [sflag:s19], $0x4000  }
0x26: {  	[sflag:s19] =	ssyncset.done $0x0  }
0x27: {  	s0 =	rddreg [dreg:$0x4];
	[sflag:s19] =	ssyncadd.s32 $0xFFFFC000  }
0x28: {  	[spmem:s0] =	stream.linear.scatter [tilespmem:s18], [sflag:$0x4], $0x4000, $0x38;
	[tilespmem:$0x1FB80] =	vst v63  }
0x29: {  	_ =	swait.ge [sflag:s19], $0x4000  }
0x2a: {  	[sflag:s19] =	ssyncset.done $0x0  }
0x2b: {  	s6 =	rddreg [dreg:$0x5];
	[sflag:s19] =	ssyncadd.s32 $0xFFFFC000  }
0x2c: {  	[spmem:s6] =	stream.linear.scatter [tilespmem:s18], [sflag:$0x4], $0x4000, $0x38;
	[tilespmem:$0x1FB80] =	vst v63  }
0x2d: {  	_ =	swait.ge [sflag:s19], $0x4000  }
0x2e: {  	[sflag:s19] =	ssyncset.done $0x0  }
0x2f: {  	s7 =	rddreg [dreg:$0x6];
	[sflag:s19] =	ssyncadd.s32 $0xFFFFC000  }
0x30: {  	[spmem:s7] =	stream.linear.scatter [tilespmem:s18], [sflag:$0x4], $0x4000, $0x38;
	[tilespmem:$0x1FB80] =	vst v63  }
0x31: {  	_ =	swait.ge [sflag:s19], $0x4000  }
0x32: {  	[sflag:s19] =	ssyncset.done $0x0  }
0x33: {  	[sflag:s19] =	ssyncadd.s32 $0xFFFFC000  }
0x34: {  	[spmem:s9] =	stream.linear.scatter [tilespmem:s18], [sflag:$0x4], $0x3800, $0x38;
	[tilespmem:$0x1FB80] =	vst v63  }
0x35: {  	_ =	swait.ge [sflag:s19], $0x3800  }
0x36: {  	[sflag:s19] =	ssyncset.done $0x0  }
0x37: {  	s0 =	simm.s32 @!p0 $0x300;
	[sflag:s19] =	ssyncadd.s32 $0xFFFFC800  }
0x38: {  	[spmem:s10] =	stream.linear.scatter @!p0 [tilespmem:s0], [sflag:$0x4], $0x800, $0x38;
	[tilespmem:$0x1FB80] =	vst v63  }
0x39: {  	s0 =	simm.s32 @!p0 $0x4  }
0x3a: {  	_ =	swait.ge @!p0 [sflag:s0], $0x800  }
0x3b: {  	[sflag:s0] =	ssyncset.done @!p0 $0x0  }
0x3c: {  	[sflag:s0] =	ssyncadd.s32 @!p0 $0xFFFFF800  }
0x3d: {  	s0 =	sadd.s32 $0x0, s17;
	[bflag:$0x0] =	sbarrier.arrive $0xFFFF  }
0x3e: {  	[tilespmem:s2], [sflag:$0x1] =	stream.linear.gather [hbm4b:s0+s2], $0x80, $0x38;
	[tilespmem:$0x1FB80] =	vst v63  }
0x3f: {  	s4 =	sadd.s32 $0x0, s16  }
0x40: {  	[tilespmem:s20], [sflag:$0x1] =	stream.linear.gather [hbm4b:s4+s2], $0x80, $0x38;
	[tilespmem:$0x1FB80] =	vst v63  }
0x41: {  	s8 =	sadd.s32 $0x10, s0  }
0x42: {  	[tilespmem:s21], [sflag:$0x2] =	stream.linear.gather [hbm4b:s8+s2], $0x80, $0x38;
	[tilespmem:$0x1FB80] =	vst v63  }
0x43: {  	s7 =	sadd.s32 $0x10, s4  }
0x44: {  	[tilespmem:s22], [sflag:$0x2] =	stream.linear.gather [hbm4b:s7+s2], $0x80, $0x38;
	[tilespmem:$0x1FB80] =	vst v63  }
0x45: {  	s0 =	sadd.s32 $0x20, s0  }
0x46: {  	[tilespmem:s23], [sflag:$0x3] =	stream.linear.gather [hbm4b:s0+s2], $0x80, $0x38;
	[tilespmem:$0x1FB80] =	vst v63  }
0x47: {  	s8 =	sadd.s32 $0x20, s4  }
0x48: {  	[tilespmem:s24], [sflag:$0x3] =	stream.linear.gather [hbm4b:s8+s2], $0x80, $0x38;
	[tilespmem:$0x1FB80] =	vst v63  }
0x49: {  	_ =	swait.ge [sflag:s25], $0x80  }
0x4a: {  	[sflag:s25] =	ssyncset.done $0x0  }
0x4b: {  	[sflag:s25] =	ssyncadd.s32 $0xFFFFFF80  }
0x4c: {  	_ =	swait.ge [sflag:s25], $0x80  }
0x4d: {  	[sflag:s25] =	ssyncset.done $0x0  }
0x4e: {  	[sflag:s25] =	ssyncadd.s32 $0xFFFFFF80  }
0x4f: {  	[tilespmem:s18], [sflag:$0x1] =	stream.indirect.gather [hbm4b:s3+s20], $0x80, s2, s20, $0xb8;
	[tilespmem:$0x1FB80] =	vst v63  }
0x50: {  	_ =	swait.ge [sflag:s26], $0x80  }
0x51: {  	[sflag:s26] =	ssyncset.done $0x0  }
0x52: {  	[sflag:s26] =	ssyncadd.s32 $0xFFFFFF80  }
0x53: {  	_ =	swait.ge [sflag:s26], $0x80  }
0x54: {  	[sflag:s26] =	ssyncset.done $0x0  }
0x55: {  	[sflag:s26] =	ssyncadd.s32 $0xFFFFFF80  }
0x56: {  	[tilespmem:s28], [sflag:$0x2] =	stream.indirect.gather [hbm4b:s3+s20], $0x80, s21, s20, $0xb8;
	[tilespmem:$0x1FB80] =	vst v63  }
0x57: {  	_ =	swait.ge [sflag:s29], $0x80  }
0x58: {  	[sflag:s29] =	ssyncset.done $0x0  }
0x59: {  	[sflag:s29] =	ssyncadd.s32 $0xFFFFFF80  }
0x5a: {  	_ =	swait.ge [sflag:s29], $0x80  }
0x5b: {  	[sflag:s29] =	ssyncset.done $0x0  }
0x5c: {  	[sflag:s29] =	ssyncadd.s32 $0xFFFFFF80  }
0x5d: {  	[tilespmem:s30], [sflag:$0x3] =	stream.indirect.gather [hbm4b:s3+s20], $0x80, s23, s20, $0xb8;
	[tilespmem:$0x1FB80] =	vst v63  }
0x5e: {  	_ =	swait.ge [sflag:s25], $0x4000  }
0x5f: {  	[sflag:s25] =	ssyncset.done $0x0  }
0x60: {  	[sflag:s25] =	ssyncadd.s32 $0xFFFFC000  }
0x61: {  	[spmem:s1] =	stream.indirect.scatter.add.f32 [tilespmem:s18], [sflag:$0x4], $0x80, s20, s20, $0xb8;
	[tilespmem:$0x1FB80] =	vst v63  }
0x62: {  	_ =	swait.ge [sflag:s19], $0x4000  }
0x63: {  	[sflag:s19] =	ssyncset.done $0x0  }
0x64: {  	[sflag:s19] =	ssyncadd.s32 $0xFFFFC000  }
0x65: {  	_ =	swait.ge [sflag:s26], $0x4000  }
0x66: {  	[sflag:s26] =	ssyncset.done $0x0  }
0x67: {  	[sflag:s26] =	ssyncadd.s32 $0xFFFFC000  }
0x68: {  	[spmem:s1] =	stream.indirect.scatter.add.f32 [tilespmem:s28], [sflag:$0x4], $0x80, s22, s20, $0xb8;
	[tilespmem:$0x1FB80] =	vst v63  }
0x69: {  	_ =	swait.ge [sflag:s19], $0x4000  }
0x6a: {  	[sflag:s19] =	ssyncset.done $0x0  }
0x6b: {  	[sflag:s19] =	ssyncadd.s32 $0xFFFFC000  }
0x6c: {  	_ =	swait.ge [sflag:s29], $0x4000  }
0x6d: {  	[sflag:s29] =	ssyncset.done $0x0  }
0x6e: {  	[sflag:s29] =	ssyncadd.s32 $0xFFFFC000  }
0x6f: {  	[spmem:s1] =	stream.indirect.scatter.add.f32 [tilespmem:s30], [sflag:$0x4], $0x80, s24, s20, $0xb8;
	[tilespmem:$0x1FB80] =	vst v63  }
0x70: {  	_ =	swait.ge [sflag:s19], $0x4000  }
0x71: {  	s4 =	simm.s32 $0x60;
	s0 =	simm.s32 $0x30;
	[sflag:s19] =	ssyncset.done $0x0  }
.LBB2_4:
0x72: {  	s7 =	sadd.s32 s0, s17  }
0x73: {  	[sflag:s19] =	ssyncadd.s32 $0xFFFFC000;
	s8 =	smov.u32 s4;
	s6 =	sadd.s32 $0x30, s4  }
0x74: {  	[tilespmem:s2], [sflag:$0x1] =	stream.linear.gather [hbm4b:s7+s2], $0x80, $0x38;
	[tilespmem:$0x1FB80] =	vst v63  }
0x75: {  	p2 =	sne.s32 s4, $0x4B0;
	s4 =	sadd.s32 s0, s16;
	s0 =	smov.u32 s8  }
0x76: {  	[tilespmem:s20], [sflag:$0x1] =	stream.linear.gather [hbm4b:s4+s2], $0x80, $0x38;
	[tilespmem:$0x1FB80] =	vst v63  }
0x77: {  	s8 =	sadd.s32 $0x10, s7  }
0x78: {  	[tilespmem:s21], [sflag:$0x2] =	stream.linear.gather [hbm4b:s8+s2], $0x80, $0x38;
	[tilespmem:$0x1FB80] =	vst v63  }
0x79: {  	s8 =	sadd.s32 $0x10, s4  }
0x7a: {  	[tilespmem:s22], [sflag:$0x2] =	stream.linear.gather [hbm4b:s8+s2], $0x80, $0x38;
	[tilespmem:$0x1FB80] =	vst v63  }
0x7b: {  	s7 =	sadd.s32 $0x20, s7  }
0x7c: {  	[tilespmem:s23], [sflag:$0x3] =	stream.linear.gather [hbm4b:s7+s2], $0x80, $0x38;
	[tilespmem:$0x1FB80] =	vst v63  }
0x7d: {  	s4 =	sadd.s32 $0x20, s4  }
0x7e: {  	[tilespmem:s24], [sflag:$0x3] =	stream.linear.gather [hbm4b:s4+s2], $0x80, $0x38;
	[tilespmem:$0x1FB80] =	vst v63  }
0x7f: {  	_ =	swait.ge [sflag:s25], $0x80  }
0x80: {  	[sflag:s25] =	ssyncset.done $0x0  }
0x81: {  	[sflag:s25] =	ssyncadd.s32 $0xFFFFFF80  }
0x82: {  	_ =	swait.ge [sflag:s25], $0x80  }
0x83: {  	[sflag:s25] =	ssyncset.done $0x0  }
0x84: {  	[sflag:s25] =	ssyncadd.s32 $0xFFFFFF80  }
0x85: {  	[tilespmem:s18], [sflag:$0x1] =	stream.indirect.gather [hbm4b:s3+s20], $0x80, s2, s20, $0xb8;
	[tilespmem:$0x1FB80] =	vst v63  }
0x86: {  	_ =	swait.ge [sflag:s26], $0x80  }
0x87: {  	[sflag:s26] =	ssyncset.done $0x0  }
0x88: {  	[sflag:s26] =	ssyncadd.s32 $0xFFFFFF80  }
0x89: {  	_ =	swait.ge [sflag:s26], $0x80  }
0x8a: {  	[sflag:s26] =	ssyncset.done $0x0  }
0x8b: {  	[sflag:s26] =	ssyncadd.s32 $0xFFFFFF80  }
0x8c: {  	[tilespmem:s28], [sflag:$0x2] =	stream.indirect.gather [hbm4b:s3+s20], $0x80, s21, s20, $0xb8;
	[tilespmem:$0x1FB80] =	vst v63  }
0x8d: {  	_ =	swait.ge [sflag:s29], $0x80  }
0x8e: {  	[sflag:s29] =	ssyncset.done $0x0  }
0x8f: {  	[sflag:s29] =	ssyncadd.s32 $0xFFFFFF80  }
0x90: {  	_ =	swait.ge [sflag:s29], $0x80  }
0x91: {  	[sflag:s29] =	ssyncset.done $0x0  }
0x92: {  	[sflag:s29] =	ssyncadd.s32 $0xFFFFFF80  }
0x93: {  	[tilespmem:s30], [sflag:$0x3] =	stream.indirect.gather [hbm4b:s3+s20], $0x80, s23, s20, $0xb8;
	[tilespmem:$0x1FB80] =	vst v63  }
0x94: {  	_ =	swait.ge [sflag:s25], $0x4000  }
0x95: {  	[sflag:s25] =	ssyncset.done $0x0  }
0x96: {  	[sflag:s25] =	ssyncadd.s32 $0xFFFFC000  }
0x97: {  	[spmem:s1] =	stream.indirect.scatter.add.f32 [tilespmem:s18], [sflag:$0x4], $0x80, s20, s20, $0xb8;
	[tilespmem:$0x1FB80] =	vst v63  }
0x98: {  	_ =	swait.ge [sflag:s19], $0x4000  }
0x99: {  	[sflag:s19] =	ssyncset.done $0x0  }
0x9a: {  	[sflag:s19] =	ssyncadd.s32 $0xFFFFC000  }
0x9b: {  	_ =	swait.ge [sflag:s26], $0x4000  }
0x9c: {  	[sflag:s26] =	ssyncset.done $0x0  }
0x9d: {  	[sflag:s26] =	ssyncadd.s32 $0xFFFFC000  }
0x9e: {  	[spmem:s1] =	stream.indirect.scatter.add.f32 [tilespmem:s28], [sflag:$0x4], $0x80, s22, s20, $0xb8;
	[tilespmem:$0x1FB80] =	vst v63  }
0x9f: {  	_ =	swait.ge [sflag:s19], $0x4000  }
0xa0: {  	[sflag:s19] =	ssyncset.done $0x0  }
0xa1: {  	[sflag:s19] =	ssyncadd.s32 $0xFFFFC000  }
0xa2: {  	_ =	swait.ge [sflag:s29], $0x4000  }
.Ltmp1:
0xa3: {  	[sflag:s29] =	ssyncset.done $0x0;
	(pc) =	sbr.rel @p2 .LBB2_4-.Ltmp1, $4  }
0xa4: {  	[sflag:s29] =	ssyncadd.s32 $0xFFFFC000  }
0xa5: {  	[spmem:s1] =	stream.indirect.scatter.add.f32 [tilespmem:s30], [sflag:$0x4], $0x80, s24, s20, $0xb8;
	[tilespmem:$0x1FB80] =	vst v63  }
0xa6: {  	_ =	swait.ge [sflag:s19], $0x4000  }
0xa7: {  	s4 =	smov.u32 s6;
	[sflag:s19] =	ssyncset.done $0x0  }
0xa8: {  	s4 =	sadd.s32 s0, s17;
	[sflag:s19] =	ssyncadd.s32 $0xFFFFC000  }
0xa9: {  	[tilespmem:s2], [sflag:$0x1] =	stream.linear.gather [hbm4b:s4+s2], $0x80, $0x38;
	[tilespmem:$0x1FB80] =	vst v63  }
0xaa: {  	s7 =	sadd.s32 s0, s16  }
0xab: {  	[tilespmem:s20], [sflag:$0x1] =	stream.linear.gather [hbm4b:s7+s2], $0x80, $0x38;
	[tilespmem:$0x1FB80] =	vst v63  }
0xac: {  	s6 =	sadd.s32 $0x10, s4  }
0xad: {  	[tilespmem:s21], [sflag:$0x2] =	stream.linear.gather [hbm4b:s6+s2], $0x80, $0x38;
	[tilespmem:$0x1FB80] =	vst v63  }
0xae: {  	s8 =	sadd.s32 $0x10, s7  }
0xaf: {  	[tilespmem:s22], [sflag:$0x2] =	stream.linear.gather [hbm4b:s8+s2], $0x80, $0x38;
	[tilespmem:$0x1FB80] =	vst v63  }
0xb0: {  	s4 =	sadd.s32 $0x20, s4  }
0xb1: {  	[tilespmem:s23], [sflag:$0x3] =	stream.linear.gather [hbm4b:s4+s2], $0x80, $0x38;
	[tilespmem:$0x1FB80] =	vst v63  }
0xb2: {  	s0 =	sadd.s32 $0x20, s7  }
0xb3: {  	[tilespmem:s24], [sflag:$0x3] =	stream.linear.gather [hbm4b:s0+s2], $0x80, $0x38;
	[tilespmem:$0x1FB80] =	vst v63  }
0xb4: {  	_ =	swait.ge [sflag:s25], $0x80  }
0xb5: {  	[sflag:s25] =	ssyncset.done $0x0  }
0xb6: {  	[sflag:s25] =	ssyncadd.s32 $0xFFFFFF80  }
0xb7: {  	_ =	swait.ge [sflag:s25], $0x80  }
0xb8: {  	[sflag:s25] =	ssyncset.done $0x0  }
0xb9: {  	[sflag:s25] =	ssyncadd.s32 $0xFFFFFF80  }
0xba: {  	[tilespmem:s18], [sflag:$0x1] =	stream.indirect.gather [hbm4b:s3+s20], $0x80, s2, s20, $0xb8;
	[tilespmem:$0x1FB80] =	vst v63  }
0xbb: {  	_ =	swait.ge [sflag:s26], $0x80  }
0xbc: {  	[sflag:s26] =	ssyncset.done $0x0  }
0xbd: {  	[sflag:s26] =	ssyncadd.s32 $0xFFFFFF80  }
0xbe: {  	_ =	swait.ge [sflag:s26], $0x80  }
0xbf: {  	[sflag:s26] =	ssyncset.done $0x0  }
0xc0: {  	[sflag:s26] =	ssyncadd.s32 $0xFFFFFF80  }
0xc1: {  	[tilespmem:s28], [sflag:$0x2] =	stream.indirect.gather [hbm4b:s3+s20], $0x80, s21, s20, $0xb8;
	[tilespmem:$0x1FB80] =	vst v63  }
0xc2: {  	_ =	swait.ge [sflag:s29], $0x80  }
0xc3: {  	[sflag:s29] =	ssyncset.done $0x0  }
0xc4: {  	[sflag:s29] =	ssyncadd.s32 $0xFFFFFF80  }
0xc5: {  	_ =	swait.ge [sflag:s29], $0x80  }
0xc6: {  	[sflag:s29] =	ssyncset.done $0x0  }
0xc7: {  	[sflag:s29] =	ssyncadd.s32 $0xFFFFFF80  }
0xc8: {  	[tilespmem:s30], [sflag:$0x3] =	stream.indirect.gather [hbm4b:s3+s20], $0x80, s23, s20, $0xb8;
	[tilespmem:$0x1FB80] =	vst v63  }
0xc9: {  	_ =	swait.ge [sflag:s25], $0x4000  }
0xca: {  	[sflag:s25] =	ssyncset.done $0x0  }
0xcb: {  	[sflag:s25] =	ssyncadd.s32 $0xFFFFC000  }
0xcc: {  	[spmem:s1] =	stream.indirect.scatter.add.f32 [tilespmem:s18], [sflag:$0x4], $0x80, s20, s20, $0xb8;
	[tilespmem:$0x1FB80] =	vst v63  }
0xcd: {  	_ =	swait.ge [sflag:s19], $0x4000  }
0xce: {  	[sflag:s19] =	ssyncset.done $0x0  }
0xcf: {  	[sflag:s19] =	ssyncadd.s32 $0xFFFFC000  }
0xd0: {  	_ =	swait.ge [sflag:s26], $0x4000  }
0xd1: {  	[sflag:s26] =	ssyncset.done $0x0  }
0xd2: {  	[sflag:s26] =	ssyncadd.s32 $0xFFFFC000  }
0xd3: {  	[spmem:s1] =	stream.indirect.scatter.add.f32 [tilespmem:s28], [sflag:$0x4], $0x80, s22, s20, $0xb8;
	[tilespmem:$0x1FB80] =	vst v63  }
0xd4: {  	_ =	swait.ge [sflag:s19], $0x4000  }
0xd5: {  	[sflag:s19] =	ssyncset.done $0x0  }
0xd6: {  	[sflag:s19] =	ssyncadd.s32 $0xFFFFC000  }
0xd7: {  	_ =	swait.ge [sflag:s29], $0x4000  }
0xd8: {  	[sflag:s29] =	ssyncset.done $0x0  }
0xd9: {  	[sflag:s29] =	ssyncadd.s32 $0xFFFFC000  }
0xda: {  	[spmem:s1] =	stream.indirect.scatter.add.f32 [tilespmem:s30], [sflag:$0x4], $0x80, s24, s20, $0xb8;
	[tilespmem:$0x1FB80] =	vst v63  }
0xdb: {  	_ =	swait.ge [sflag:s19], $0x4000  }
0xdc: {  	[sflag:s19] =	ssyncset.done $0x0  }
0xdd: {  	s4 =	simm.s32 @!p1 $0x4;
	s0 =	simm.s32 @!p1 $0x0;
	[sflag:s19] =	ssyncadd.s32 $0xFFFFC000  }
0xde: {  	[tilespmem:s0], [sflag:$0x4] =	stream.linear.gather @!p1 [hbm4b:s11+s0], $0x80, $0x38;
	[tilespmem:$0x1FB80] =	vst v63  }
0xdf: {  	_ =	swait.ge @!p1 [sflag:s4], $0x80  }
0xe0: {  	[sflag:s4] =	ssyncset.done @!p1 $0x0  }
0xe1: {  	s6 =	simm.s32 @!p1 $0x80;
	[sflag:s4] =	ssyncadd.s32 @!p1 $0xFFFFFF80  }
0xe2: {  	[tilespmem:s6], [sflag:$0x4] =	stream.linear.gather @!p1 [hbm4b:s12+s0], $0x80, $0x38;
	[tilespmem:$0x1FB80] =	vst v63  }
0xe3: {  	_ =	swait.ge @!p1 [sflag:s4], $0x80  }
0xe4: {  	[sflag:s4] =	ssyncset.done @!p1 $0x0  }
0xe5: {  	s7 =	simm.s32 @!p1 $0x300;
	[sflag:s4] =	ssyncadd.s32 @!p1 $0xFFFFFF80  }
0xe6: {  	[tilespmem:s7], [sflag:$0x1] =	stream.indirect.gather @!p1 [hbm4b:s3+s6], $0x80, s0, s6, $0xb8;
	[tilespmem:$0x1FB80] =	vst v63  }
0xe7: {  	s0 =	simm.s32 @!p1 $0x1  }
0xe8: {  	_ =	swait.ge @!p1 [sflag:s0], $0x4000  }
0xe9: {  	[sflag:s0] =	ssyncset.done @!p1 $0x0  }
0xea: {  	[sflag:s0] =	ssyncadd.s32 @!p1 $0xFFFFC000  }
0xeb: {  	[spmem:s1] =	stream.indirect.scatter.add.f32 @!p1 [tilespmem:s7], [sflag:$0x4], $0x80, s6, s6, $0xb8;
	[tilespmem:$0x1FB80] =	vst v63  }
0xec: {  	_ =	swait.ge @!p1 [sflag:s4], $0x4000  }
0xed: {  	s7 =	stileid.u32;
	[sflag:s4] =	ssyncset.done @!p1 $0x0  }
0xee: {  	s0 =	sshll.u32 s7, $0x6;
	[sflag:s4] =	ssyncadd.s32 @!p1 $0xFFFFC000  }
0xef: {  	s8 =	sshrl.u32 s5, $0x3;
	s0 =	sor.u32 $0x1C04, s0;
	[bflag:$0x0] =	sbarrier.arrive $0xFFFF  }
0xf0: {  	[hbm:s13], [sflag:s0] =	dma.local [spmem:s8], $0x2700  }
0xf1: {  	_ =	swait.ge [sflag:s19], $0x2700  }
0xf2: {  	s31 =	sadd.s32 $0x1, s31;
	[sflag:s19] =	ssyncset.done $0x0  }
0xf3: {  	p2 =	sne.s32 s31, s15;
	s4 =	sshrl.u32 @!p0 s10, $0x3;
	[sflag:s19] =	ssyncadd.s32 $0xFFFFD900  }
0xf4: {  	[hbm:s14], [sflag:s0] =	dma.local @!p0 [spmem:s4], $0x100  }
.Ltmp2:
0xf5: {  	_ = 	snop;
	(pc) =	sbr.rel @p2 .LBB2_1-.Ltmp2, $4  }
0xf6: {  	s0 =	simm.s32 @!p0 $0x4  }
0xf7: {  	_ =	swait.ge @!p0 [sflag:s0], $0x100  }
0xf8: {  	[sflag:s0] =	ssyncset.done @!p0 $0x0  }
0xf9: {  	[sflag:s0] =	ssyncadd.s32 @!p0 $0xFFFFFF00  }
0xfa: {  	_ =	sfence.sel $0x180000  }
0xfb: {  	[bflag:$0x0] =	sbarrier.arrive $0xFFFF  }
0xfc: {  	_ =	strace $0x90000047  }
0xfd: {  	[bflag:$0x2] =	sbarrier.arrive $0xFFFF  }
0xfe: {  	s0 =	rddreg [dreg:$0x3]  }
0xff: {  	s0 =	sadd.s32 @!p0 $0x100000, s0  }
0x100: {  	[sflag:s0] =	ssyncadd.tile.s32 @!p0 $0x1;
	_ =	shalt  }
.Lfunc_end2:
_tile_overlayer_lowered:
.L_overlay_start_2:
0x101: {  	(tag) =	ssettag $0x2  }
0x102: {  	s0 =	rddreg [dreg:$0x0];
	s2 =	stileid.u32  }
0x103: {  	s1 =	rddreg [dreg:$0x1];
	p0 =	sne.s32 s2, $0x0  }
0x104: {  	s3 =	rddreg [dreg:$0x2];
	[bflag:$0x3] =	sbarrier.arrive $0xFFFF;
	s2 =	simm.s32 @!p0 $0x1C04  }
0x105: {  	[timem:s3], [sflag:s2] =	dma.local @!p0 [hbm:s0], s1  }
0x106: {  	s0 =	simm.s32 @!p0 $0x4  }
0x107: {  	_ =	swait.ge @!p0 [sflag:s0], s1  }
0x108: {  	s1 =	ssub.s32 @!p0 $0x0, s1;
	[sflag:s0] =	ssyncset.done @!p0 $0x0  }
0x109: {  	[sflag:s0] =	ssyncadd.s32 @!p0 s1  }
0x10a: {  	[bflag:$0x3] =	sbarrier.arrive $0xFFFF  }
0x10b: {  	_ =	shalt  }

</sc_bundles>
